<compile_context>
chip_gen: v7x
topology: tpu7x:2x2x1
jax: 0.10.2.dev20260603
libtpu: 0.0.44.dev20260713+nightly
codegen_flags: <defaults>
</compile_context>

<pallas_src>
import functools

import jax
import jax.numpy as jnp
from jax import lax
from jax.experimental import pallas as pl
from jax.experimental.pallas import tpu as pltpu
from jax.experimental.pallas import tpu_sc as plsc

NC = 2
NS = 16
NW = NC * NS
CHUNK = 128


def _mxu_t(a, eye):
    return lax.dot_general(a, eye, (((0,), (0,)), ((), ())),
                           preferred_element_type=jnp.float32)


def _bf16_bits(x):
    b = lax.bitcast_convert_type(x, jnp.uint32)
    return (b + jnp.uint32(0x7FFF) + ((b >> 16) & jnp.uint32(1))) >> 16


def _unpack_lo(w):
    return lax.bitcast_convert_type(w << 16, jnp.float32)


def _unpack_hi(w):
    return lax.bitcast_convert_type(w & jnp.uint32(0xFFFF0000), jnp.float32)


def _tc_pack(ULt, UVt, ILt, ib):
    K, N = ULt.shape
    C = 4096
    G = -(-N // C)
    ib2 = ib.reshape(1, N)
    eye = jnp.eye(K, dtype=jnp.float32)

    def body(a_r, b_r, c_r, d_r, e_r, t_r):
        ul = _bf16_bits(_mxu_t(a_r[...], e_r[...]))
        uv = _bf16_bits(_mxu_t(b_r[...], e_r[...]))
        il = _bf16_bits(_mxu_t(c_r[...], e_r[...]))
        ibv = _bf16_bits(jnp.broadcast_to(d_r[0, :].reshape(C, 1), (C, K)))
        t_r[:, :K] = ul | (uv << 16)
        t_r[:, K:] = il | (ibv << 16)

    bt = pl.BlockSpec((K, C), lambda g: (0, g))
    return pl.pallas_call(
        body,
        grid=(G,),
        in_specs=[bt, bt, bt,
                  pl.BlockSpec((1, C), lambda g: (0, g)),
                  pl.BlockSpec((K, K), lambda g: (0, 0))],
        out_specs=pl.BlockSpec((C, 2 * K), lambda g: (g, 0)),
        out_shape=jax.ShapeDtypeStruct((N, 2 * K), jnp.uint32),
        compiler_params=pltpu.CompilerParams(
            dimension_semantics=("parallel",)),
    )(ULt, UVt, ILt, ib2, eye)


def _sc_gather2(T1, idx1, T2, idx2):
    B = idx1.shape[0]
    F = T1.shape[1]
    dt = T1.dtype
    bpw = B // NW
    nch = bpw // CHUNK
    mesh = plsc.VectorSubcoreMesh(core_axis_name="c", subcore_axis_name="s")

    @functools.partial(
        pl.kernel,
        out_type=(jax.ShapeDtypeStruct((B, F), dt),
                  jax.ShapeDtypeStruct((B, F), dt)),
        mesh=mesh,
        scratch_types=[
            pltpu.VMEM((CHUNK,), jnp.int32),
            pltpu.VMEM((CHUNK,), jnp.int32),
            pltpu.VMEM((CHUNK, F), dt),
            pltpu.VMEM((CHUNK, F), dt),
            pltpu.SemaphoreType.DMA,
        ],
        compiler_params=pltpu.CompilerParams(use_tc_tiling_on_sc=True),
    )
    def k(i1_hbm, i2_hbm, t1, t2, o1, o2, i1_c, i2_c, b1, b2, sem):
        cid = lax.axis_index("c")
        sid = lax.axis_index("s")
        wid = sid * NC + cid
        base = wid * bpw
        for c in range(nch):
            sl = pl.ds(base + c * CHUNK, CHUNK)
            pltpu.sync_copy(i1_hbm.at[sl], i1_c)
            pltpu.sync_copy(i2_hbm.at[sl], i2_c)
            cps = [pltpu.async_copy(t1.at[i1_c], b1, sem),
                   pltpu.async_copy(t2.at[i2_c], b2, sem)]
            for cp in cps:
                cp.wait()
            pltpu.sync_copy(b1, o1.at[sl])
            pltpu.sync_copy(b2, o2.at[sl])

    return k(idx1, idx2, T1, T2)


def _sc_gather3(T, idx1, idx2, idx3):
    B = idx1.shape[0]
    F = T.shape[1]
    dt = T.dtype
    bpw = B // NW
    nch = bpw // CHUNK
    mesh = plsc.VectorSubcoreMesh(core_axis_name="c", subcore_axis_name="s")

    @functools.partial(
        pl.kernel,
        out_type=(jax.ShapeDtypeStruct((B, F), dt),
                  jax.ShapeDtypeStruct((B, F), dt),
                  jax.ShapeDtypeStruct((B, F), dt)),
        mesh=mesh,
        scratch_types=[
            pltpu.VMEM((CHUNK,), jnp.int32),
            pltpu.VMEM((CHUNK,), jnp.int32),
            pltpu.VMEM((CHUNK,), jnp.int32),
            pltpu.VMEM((CHUNK, F), dt),
            pltpu.VMEM((CHUNK, F), dt),
            pltpu.VMEM((CHUNK, F), dt),
            pltpu.SemaphoreType.DMA,
        ],
        compiler_params=pltpu.CompilerParams(use_tc_tiling_on_sc=True),
    )
    def k(i1_hbm, i2_hbm, i3_hbm, t1, o1, o2, o3,
          i1_c, i2_c, i3_c, b1, b2, b3, sem):
        cid = lax.axis_index("c")
        sid = lax.axis_index("s")
        wid = sid * NC + cid
        base = wid * bpw
        for c in range(nch):
            sl = pl.ds(base + c * CHUNK, CHUNK)
            pltpu.sync_copy(i1_hbm.at[sl], i1_c)
            pltpu.sync_copy(i2_hbm.at[sl], i2_c)
            pltpu.sync_copy(i3_hbm.at[sl], i3_c)
            cps = [pltpu.async_copy(t1.at[i1_c], b1, sem),
                   pltpu.async_copy(t1.at[i2_c], b2, sem),
                   pltpu.async_copy(t1.at[i3_c], b3, sem)]
            for cp in cps:
                cp.wait()
            pltpu.sync_copy(b1, o1.at[sl])
            pltpu.sync_copy(b2, o2.at[sl])
            pltpu.sync_copy(b3, o3.at[sl])

    return k(idx1, idx2, idx3, T)


def _tc_compute(gu, gi, gj, vfi, vfj, W_proj, beta):
    B, F = gu.shape
    K = W_proj.shape[0]
    BLK = 1024
    NB = B // BLK

    def body(gu_r, gi_r, gj_r, vfi_r, vfj_r, W_r, beta_r, o_r):
        wu = gu_r[:, :K]
        ul = _unpack_lo(wu)
        uv = _unpack_hi(wu)
        wi = gi_r[:, K:]
        wj = gj_r[:, K:]
        dil = _unpack_lo(wi) - _unpack_lo(wj)
        dib = _unpack_hi(wi[:, 0]) - _unpack_hi(wj[:, 0])
        dvf = vfi_r[...] - vfj_r[...]
        proj = lax.dot_general(dvf, W_r[...], (((1,), (1,)), ((), ())),
                               preferred_element_type=jnp.float32)
        lat = jnp.sum(ul * dil, axis=1)
        vis = jnp.sum(uv * proj, axis=1)
        bet = jnp.sum(dvf * beta_r[...], axis=1)
        o_r[0, 0, :] = dib + lat + vis + bet

    bf = pl.BlockSpec((BLK, F), lambda b: (b, 0))
    out3 = pl.pallas_call(
        body,
        grid=(NB,),
        in_specs=[bf, bf, bf, bf, bf,
                  pl.BlockSpec((K, F), lambda b: (0, 0)),
                  pl.BlockSpec((1, F), lambda b: (0, 0))],
        out_specs=pl.BlockSpec((1, 1, BLK), lambda b: (b, 0, 0)),
        out_shape=jax.ShapeDtypeStruct((NB, 1, BLK), jnp.float32),
        compiler_params=pltpu.CompilerParams(
            dimension_semantics=("parallel",)),
    )(gu, gi, gj, vfi, vfj, W_proj, beta)
    return out3.reshape(B)


def kernel(trg_batch, U_latent, I_latent, U_visual, W_proj, b_proj,
           beta_dash, user_bias, item_bias, visual_features):
    tb = trg_batch.astype(jnp.int32)
    u_idx = tb[:, 0]
    i_idx = tb[:, 1]
    j_idx = tb[:, 2]
    vfi, vfj = _sc_gather2(visual_features, i_idx, visual_features, j_idx)
    T = _tc_pack(U_latent.T, U_visual.T, I_latent.T, item_bias)
    gu, gi, gj = _sc_gather3(T, u_idx, i_idx, j_idx)
    return _tc_compute(gu, gi, gj, vfi, vfj, W_proj, beta_dash)

# --- scband reference (transcript-rebuilt; emitter-appended) ---
"""Pipeline reference for scband-v-bpr-12945031430649 (READ-ONLY COPY).

The authoritative reference and input builder live on the scoring server;
editing this copy changes nothing except your own understanding.
"""

import jax, jax.numpy as jnp
import numpy as np

N_U = 100000
N_I = 100000
K = 64
D = 64
F = 128
B = 16384
STD = 0.01

def setup_inputs(seed: int = 0) -> dict:
    key = jax.random.key(seed)
    ks = jax.random.split(key, 10)
    U_latent = jax.random.normal(ks[0], (N_U, K), dtype=jnp.float32) * STD
    I_latent = jax.random.normal(ks[1], (N_I, K), dtype=jnp.float32) * STD
    U_visual = jax.random.normal(ks[2], (N_U, D), dtype=jnp.float32) * STD
    W_proj = jax.random.normal(ks[3], (D, F), dtype=jnp.float32) * STD
    b_proj = jax.random.normal(ks[4], (D,), dtype=jnp.float32) * STD
    beta_dash = jax.random.normal(ks[5], (1, F), dtype=jnp.float32) * STD
    user_bias = jax.random.normal(ks[6], (N_U,), dtype=jnp.float32) * STD
    item_bias = jax.random.normal(ks[7], (N_I,), dtype=jnp.float32) * STD
    visual_features = jax.random.normal(ks[8], (N_I, F), dtype=jnp.float32)
    trg_batch = jax.random.randint(ks[9], (B, 3), 0, 100000, dtype=jnp.int64 if jax.config.jax_enable_x64 else jnp.int32)
    return {
        "trg_batch": trg_batch,
        "U_latent": U_latent,
        "I_latent": I_latent,
        "U_visual": U_visual,
        "W_proj": W_proj,
        "b_proj": b_proj,
        "beta_dash": beta_dash,
        "user_bias": user_bias,
        "item_bias": item_bias,
        "visual_features": visual_features,
    }

def reference(trg_batch, U_latent, I_latent, U_visual, W_proj, b_proj, beta_dash, user_bias, item_bias, visual_features):
    # Faithful translation of vBPR.forward (eval mode: dropout is identity).
    u_s = trg_batch[:, 0]
    i_s = trg_batch[:, 1]
    j_s = trg_batch[:, 2]

    def get_xui(u, it):
        vf = jnp.take(visual_features, it, axis=0)            # [B, F] gather
        i_vis = vf @ W_proj.T + b_proj                        # embedding_projection (Linear F->D)
        latent = jnp.sum(jnp.take(U_latent, u, axis=0) * jnp.take(I_latent, it, axis=0), axis=-1)  # bmm squeeze
        visual = jnp.sum(jnp.take(U_visual, u, axis=0) * i_vis, axis=-1)
        beta_term = vf @ beta_dash[0]                         # beta_dash.mm(vf.T).squeeze()
        return jnp.take(user_bias, u) + jnp.take(item_bias, it) + latent + visual + beta_term

    return get_xui(u_s, i_s) - get_xui(u_s, j_s)

if __name__ == "__main__":
    import jax
    _d = setup_inputs()
    print(jax.jit(kernel)(*tuple(_d.values())))

</pallas_src>

<mosaic_0001>
#map = affine_map<(d0, d1) -> (0)>
#map1 = affine_map<(d0, d1) -> (0, 0)>
module attributes {stable_mosaic.version = 14 : i64} {
  func.func @k(%arg0: i32, %arg1: i32, %arg2: memref<16384xi32, #tpu.memory_space<hbm>>, %arg3: memref<16384xi32, #tpu.memory_space<hbm>>, %arg4: memref<16384xi32, #tpu.memory_space<hbm>>, %arg5: memref<100000x128xi32, #tpu.memory_space<hbm>>, %arg6: memref<16384x128xi32, #tpu.memory_space<hbm>>, %arg7: memref<16384x128xi32, #tpu.memory_space<hbm>>, %arg8: memref<16384x128xi32, #tpu.memory_space<hbm>>, %arg9: memref<128xi32, #tpu.memory_space<vmem>>, %arg10: memref<128xi32, #tpu.memory_space<vmem>>, %arg11: memref<128xi32, #tpu.memory_space<vmem>>, %arg12: memref<128x128xi32, #tpu.memory_space<vmem>>, %arg13: memref<128x128xi32, #tpu.memory_space<vmem>>, %arg14: memref<128x128xi32, #tpu.memory_space<vmem>>, %arg15: memref<!tpu.dma_semaphore, #tpu.memory_space<semaphore_mem>>) attributes {dimension_semantics = [#tpu.dimension_semantics<core_parallel>, #tpu.dimension_semantics<subcore_parallel>], iteration_bounds = array<i64: 2, 16>, scalar_prefetch = 0 : i64, scratch_operands = 7 : i64, tpu.core_type = #tpu.core_type<sc_vector_subcore>, window_params = [{transform_indices = #map}, {transform_indices = #map}, {transform_indices = #map}, {transform_indices = #map1}, {transform_indices = #map1}, {transform_indices = #map1}, {transform_indices = #map1}]} {
    %mul3A = arith.constant 2 : i32
    %mul3A_0 = arith.muli %arg1, %mul3A : i32
    %add3A = arith.addi %mul3A_0, %arg0 : i32
    %mul3A_1 = arith.constant 512 : i32
    %mul3A_2 = arith.muli %add3A, %mul3A_1 : i32
    %add3A_3 = arith.constant 0 : i32
    %add3A_4 = arith.addi %mul3A_2, %add3A_3 : i32
    "tpu.region"() ({
      %run_scoped3A = tpu.sem_alloc : memref<!tpu.dma_semaphore, #tpu.memory_space<semaphore_mem>>
      %dma_start3A_81 = tpu.memref_slice %arg2[%add3A_4] : memref<16384xi32, #tpu.memory_space<hbm>> -> memref<128xi32, #tpu.memory_space<hbm>>
      %dma_start3A_82 = tpu.memref_slice %arg2[%add3A_4] : memref<16384xi32, #tpu.memory_space<hbm>> -> memref<128xi32, #tpu.memory_space<hbm>>
      tpu.enqueue_dma source(%dma_start3A_82 : memref<128xi32, #tpu.memory_space<hbm>>) target(%arg9 : memref<128xi32, #tpu.memory_space<vmem>>) target_semaphore(%run_scoped3A : memref<!tpu.dma_semaphore, #tpu.memory_space<semaphore_mem>>)
      %dma_wait3A_83 = tpu.memref_slice %arg2[%add3A_4] : memref<16384xi32, #tpu.memory_space<hbm>> -> memref<128xi32, #tpu.memory_space<hbm>>
      %dma_wait3A_84 = tpu.memref_slice %arg2[%add3A_4] : memref<16384xi32, #tpu.memory_space<hbm>> -> memref<128xi32, #tpu.memory_space<hbm>>
      tpu.wait_dma2 semaphore(%run_scoped3A : memref<!tpu.dma_semaphore, #tpu.memory_space<semaphore_mem>>) src(%dma_wait3A_84 : memref<128xi32, #tpu.memory_space<hbm>>) dst(%arg9 : memref<128xi32, #tpu.memory_space<vmem>>)
      tpu.yield
    }) : () -> ()
    "tpu.region"() ({
      %run_scoped3A = tpu.sem_alloc : memref<!tpu.dma_semaphore, #tpu.memory_space<semaphore_mem>>
      %dma_start3A_81 = tpu.memref_slice %arg3[%add3A_4] : memref<16384xi32, #tpu.memory_space<hbm>> -> memref<128xi32, #tpu.memory_space<hbm>>
      %dma_start3A_82 = tpu.memref_slice %arg3[%add3A_4] : memref<16384xi32, #tpu.memory_space<hbm>> -> memref<128xi32, #tpu.memory_space<hbm>>
      tpu.enqueue_dma source(%dma_start3A_82 : memref<128xi32, #tpu.memory_space<hbm>>) target(%arg10 : memref<128xi32, #tpu.memory_space<vmem>>) target_semaphore(%run_scoped3A : memref<!tpu.dma_semaphore, #tpu.memory_space<semaphore_mem>>)
      %dma_wait3A_83 = tpu.memref_slice %arg3[%add3A_4] : memref<16384xi32, #tpu.memory_space<hbm>> -> memref<128xi32, #tpu.memory_space<hbm>>
      %dma_wait3A_84 = tpu.memref_slice %arg3[%add3A_4] : memref<16384xi32, #tpu.memory_space<hbm>> -> memref<128xi32, #tpu.memory_space<hbm>>
      tpu.wait_dma2 semaphore(%run_scoped3A : memref<!tpu.dma_semaphore, #tpu.memory_space<semaphore_mem>>) src(%dma_wait3A_84 : memref<128xi32, #tpu.memory_space<hbm>>) dst(%arg10 : memref<128xi32, #tpu.memory_space<vmem>>)
      tpu.yield
    }) : () -> ()
    "tpu.region"() ({
      %run_scoped3A = tpu.sem_alloc : memref<!tpu.dma_semaphore, #tpu.memory_space<semaphore_mem>>
      %dma_start3A_81 = tpu.memref_slice %arg4[%add3A_4] : memref<16384xi32, #tpu.memory_space<hbm>> -> memref<128xi32, #tpu.memory_space<hbm>>
      %dma_start3A_82 = tpu.memref_slice %arg4[%add3A_4] : memref<16384xi32, #tpu.memory_space<hbm>> -> memref<128xi32, #tpu.memory_space<hbm>>
      tpu.enqueue_dma source(%dma_start3A_82 : memref<128xi32, #tpu.memory_space<hbm>>) target(%arg11 : memref<128xi32, #tpu.memory_space<vmem>>) target_semaphore(%run_scoped3A : memref<!tpu.dma_semaphore, #tpu.memory_space<semaphore_mem>>)
      %dma_wait3A_83 = tpu.memref_slice %arg4[%add3A_4] : memref<16384xi32, #tpu.memory_space<hbm>> -> memref<128xi32, #tpu.memory_space<hbm>>
      %dma_wait3A_84 = tpu.memref_slice %arg4[%add3A_4] : memref<16384xi32, #tpu.memory_space<hbm>> -> memref<128xi32, #tpu.memory_space<hbm>>
      tpu.wait_dma2 semaphore(%run_scoped3A : memref<!tpu.dma_semaphore, #tpu.memory_space<semaphore_mem>>) src(%dma_wait3A_84 : memref<128xi32, #tpu.memory_space<hbm>>) dst(%arg11 : memref<128xi32, #tpu.memory_space<vmem>>)
      tpu.yield
    }) : () -> ()
    %dma_start3A = arith.constant 0 : i32
    %dma_start3A_5 = arith.constant 0 : i32
    %dma_start3A_6 = tpu.memref_slice %arg5[%dma_start3A, %dma_start3A_5] : memref<100000x128xi32, #tpu.memory_space<hbm>> -> memref<100000x128xi32, #tpu.memory_space<hbm>>
    tpu.enqueue_indirect_dma source(%dma_start3A_6 : memref<100000x128xi32, #tpu.memory_space<hbm>>) target(%arg12 : memref<128x128xi32, #tpu.memory_space<vmem>>) offsets(%arg9 : memref<128xi32, #tpu.memory_space<vmem>>) semaphore(%arg15 : memref<!tpu.dma_semaphore, #tpu.memory_space<semaphore_mem>>)
    %dma_start3A_7 = arith.constant 0 : i32
    %dma_start3A_8 = arith.constant 0 : i32
    %dma_start3A_9 = tpu.memref_slice %arg5[%dma_start3A_7, %dma_start3A_8] : memref<100000x128xi32, #tpu.memory_space<hbm>> -> memref<100000x128xi32, #tpu.memory_space<hbm>>
    tpu.enqueue_indirect_dma source(%dma_start3A_9 : memref<100000x128xi32, #tpu.memory_space<hbm>>) target(%arg13 : memref<128x128xi32, #tpu.memory_space<vmem>>) offsets(%arg10 : memref<128xi32, #tpu.memory_space<vmem>>) semaphore(%arg15 : memref<!tpu.dma_semaphore, #tpu.memory_space<semaphore_mem>>)
    %dma_start3A_10 = arith.constant 0 : i32
    %dma_start3A_11 = arith.constant 0 : i32
    %dma_start3A_12 = tpu.memref_slice %arg5[%dma_start3A_10, %dma_start3A_11] : memref<100000x128xi32, #tpu.memory_space<hbm>> -> memref<100000x128xi32, #tpu.memory_space<hbm>>
    tpu.enqueue_indirect_dma source(%dma_start3A_12 : memref<100000x128xi32, #tpu.memory_space<hbm>>) target(%arg14 : memref<128x128xi32, #tpu.memory_space<vmem>>) offsets(%arg11 : memref<128xi32, #tpu.memory_space<vmem>>) semaphore(%arg15 : memref<!tpu.dma_semaphore, #tpu.memory_space<semaphore_mem>>)
    %dma_wait3A = arith.constant 0 : i32
    %dma_wait3A_13 = arith.constant 0 : i32
    %dma_wait3A_14 = tpu.memref_slice %arg5[%dma_wait3A, %dma_wait3A_13] : memref<100000x128xi32, #tpu.memory_space<hbm>> -> memref<100000x128xi32, #tpu.memory_space<hbm>>
    tpu.wait_indirect_dma semaphore(%arg15 : memref<!tpu.dma_semaphore, #tpu.memory_space<semaphore_mem>>) src(%dma_wait3A_14 : memref<100000x128xi32, #tpu.memory_space<hbm>>) dst(%arg12 : memref<128x128xi32, #tpu.memory_space<vmem>>)
    %dma_wait3A_15 = arith.constant 0 : i32
    %dma_wait3A_16 = arith.constant 0 : i32
    %dma_wait3A_17 = tpu.memref_slice %arg5[%dma_wait3A_15, %dma_wait3A_16] : memref<100000x128xi32, #tpu.memory_space<hbm>> -> memref<100000x128xi32, #tpu.memory_space<hbm>>
    tpu.wait_indirect_dma semaphore(%arg15 : memref<!tpu.dma_semaphore, #tpu.memory_space<semaphore_mem>>) src(%dma_wait3A_17 : memref<100000x128xi32, #tpu.memory_space<hbm>>) dst(%arg13 : memref<128x128xi32, #tpu.memory_space<vmem>>)
    %dma_wait3A_18 = arith.constant 0 : i32
    %dma_wait3A_19 = arith.constant 0 : i32
    %dma_wait3A_20 = tpu.memref_slice %arg5[%dma_wait3A_18, %dma_wait3A_19] : memref<100000x128xi32, #tpu.memory_space<hbm>> -> memref<100000x128xi32, #tpu.memory_space<hbm>>
    tpu.wait_indirect_dma semaphore(%arg15 : memref<!tpu.dma_semaphore, #tpu.memory_space<semaphore_mem>>) src(%dma_wait3A_20 : memref<100000x128xi32, #tpu.memory_space<hbm>>) dst(%arg14 : memref<128x128xi32, #tpu.memory_space<vmem>>)
    "tpu.region"() ({
      %run_scoped3A = tpu.sem_alloc : memref<!tpu.dma_semaphore, #tpu.memory_space<semaphore_mem>>
      %dma_start3A_81 = arith.constant 0 : i32
      %dma_start3A_82 = tpu.memref_slice %arg6[%add3A_4, %dma_start3A_81] : memref<16384x128xi32, #tpu.memory_space<hbm>> -> memref<128x128xi32, #tpu.memory_space<hbm>>
      %dma_start3A_83 = arith.constant 0 : i32
      %dma_start3A_84 = tpu.memref_slice %arg6[%add3A_4, %dma_start3A_83] : memref<16384x128xi32, #tpu.memory_space<hbm>> -> memref<128x128xi32, #tpu.memory_space<hbm>>
      tpu.enqueue_dma source(%arg12 : memref<128x128xi32, #tpu.memory_space<vmem>>) target(%dma_start3A_84 : memref<128x128xi32, #tpu.memory_space<hbm>>) target_semaphore(%run_scoped3A : memref<!tpu.dma_semaphore, #tpu.memory_space<semaphore_mem>>)
      %dma_wait3A_85 = arith.constant 0 : i32
      %dma_wait3A_86 = tpu.memref_slice %arg6[%add3A_4, %dma_wait3A_85] : memref<16384x128xi32, #tpu.memory_space<hbm>> -> memref<128x128xi32, #tpu.memory_space<hbm>>
      %dma_wait3A_87 = arith.constant 0 : i32
      %dma_wait3A_88 = tpu.memref_slice %arg6[%add3A_4, %dma_wait3A_87] : memref<16384x128xi32, #tpu.memory_space<hbm>> -> memref<128x128xi32, #tpu.memory_space<hbm>>
      tpu.wait_dma2 semaphore(%run_scoped3A : memref<!tpu.dma_semaphore, #tpu.memory_space<semaphore_mem>>) src(%arg12 : memref<128x128xi32, #tpu.memory_space<vmem>>) dst(%dma_wait3A_88 : memref<128x128xi32, #tpu.memory_space<hbm>>)
      tpu.yield
    }) : () -> ()
    "tpu.region"() ({
      %run_scoped3A = tpu.sem_alloc : memref<!tpu.dma_semaphore, #tpu.memory_space<semaphore_mem>>
      %dma_start3A_81 = arith.constant 0 : i32
      %dma_start3A_82 = tpu.memref_slice %arg7[%add3A_4, %dma_start3A_81] : memref<16384x128xi32, #tpu.memory_space<hbm>> -> memref<128x128xi32, #tpu.memory_space<hbm>>
      %dma_start3A_83 = arith.constant 0 : i32
      %dma_start3A_84 = tpu.memref_slice %arg7[%add3A_4, %dma_start3A_83] : memref<16384x128xi32, #tpu.memory_space<hbm>> -> memref<128x128xi32, #tpu.memory_space<hbm>>
      tpu.enqueue_dma source(%arg13 : memref<128x128xi32, #tpu.memory_space<vmem>>) target(%dma_start3A_84 : memref<128x128xi32, #tpu.memory_space<hbm>>) target_semaphore(%run_scoped3A : memref<!tpu.dma_semaphore, #tpu.memory_space<semaphore_mem>>)
      %dma_wait3A_85 = arith.constant 0 : i32
      %dma_wait3A_86 = tpu.memref_slice %arg7[%add3A_4, %dma_wait3A_85] : memref<16384x128xi32, #tpu.memory_space<hbm>> -> memref<128x128xi32, #tpu.memory_space<hbm>>
      %dma_wait3A_87 = arith.constant 0 : i32
      %dma_wait3A_88 = tpu.memref_slice %arg7[%add3A_4, %dma_wait3A_87] : memref<16384x128xi32, #tpu.memory_space<hbm>> -> memref<128x128xi32, #tpu.memory_space<hbm>>
      tpu.wait_dma2 semaphore(%run_scoped3A : memref<!tpu.dma_semaphore, #tpu.memory_space<semaphore_mem>>) src(%arg13 : memref<128x128xi32, #tpu.memory_space<vmem>>) dst(%dma_wait3A_88 : memref<128x128xi32, #tpu.memory_space<hbm>>)
      tpu.yield
    }) : () -> ()
    "tpu.region"() ({
      %run_scoped3A = tpu.sem_alloc : memref<!tpu.dma_semaphore, #tpu.memory_space<semaphore_mem>>
      %dma_start3A_81 = arith.constant 0 : i32
      %dma_start3A_82 = tpu.memref_slice %arg8[%add3A_4, %dma_start3A_81] : memref<16384x128xi32, #tpu.memory_space<hbm>> -> memref<128x128xi32, #tpu.memory_space<hbm>>
      %dma_start3A_83 = arith.constant 0 : i32
      %dma_start3A_84 = tpu.memref_slice %arg8[%add3A_4, %dma_start3A_83] : memref<16384x128xi32, #tpu.memory_space<hbm>> -> memref<128x128xi32, #tpu.memory_space<hbm>>
      tpu.enqueue_dma source(%arg14 : memref<128x128xi32, #tpu.memory_space<vmem>>) target(%dma_start3A_84 : memref<128x128xi32, #tpu.memory_space<hbm>>) target_semaphore(%run_scoped3A : memref<!tpu.dma_semaphore, #tpu.memory_space<semaphore_mem>>)
      %dma_wait3A_85 = arith.constant 0 : i32
      %dma_wait3A_86 = tpu.memref_slice %arg8[%add3A_4, %dma_wait3A_85] : memref<16384x128xi32, #tpu.memory_space<hbm>> -> memref<128x128xi32, #tpu.memory_space<hbm>>
      %dma_wait3A_87 = arith.constant 0 : i32
      %dma_wait3A_88 = tpu.memref_slice %arg8[%add3A_4, %dma_wait3A_87] : memref<16384x128xi32, #tpu.memory_space<hbm>> -> memref<128x128xi32, #tpu.memory_space<hbm>>
      tpu.wait_dma2 semaphore(%run_scoped3A : memref<!tpu.dma_semaphore, #tpu.memory_space<semaphore_mem>>) src(%arg14 : memref<128x128xi32, #tpu.memory_space<vmem>>) dst(%dma_wait3A_88 : memref<128x128xi32, #tpu.memory_space<hbm>>)
      tpu.yield
    }) : () -> ()
    %add3A_21 = arith.constant 128 : i32
    %add3A_22 = arith.addi %mul3A_2, %add3A_21 : i32
    "tpu.region"() ({
      %run_scoped3A = tpu.sem_alloc : memref<!tpu.dma_semaphore, #tpu.memory_space<semaphore_mem>>
      %dma_start3A_81 = tpu.memref_slice %arg2[%add3A_22] : memref<16384xi32, #tpu.memory_space<hbm>> -> memref<128xi32, #tpu.memory_space<hbm>>
      %dma_start3A_82 = tpu.memref_slice %arg2[%add3A_22] : memref<16384xi32, #tpu.memory_space<hbm>> -> memref<128xi32, #tpu.memory_space<hbm>>
      tpu.enqueue_dma source(%dma_start3A_82 : memref<128xi32, #tpu.memory_space<hbm>>) target(%arg9 : memref<128xi32, #tpu.memory_space<vmem>>) target_semaphore(%run_scoped3A : memref<!tpu.dma_semaphore, #tpu.memory_space<semaphore_mem>>)
      %dma_wait3A_83 = tpu.memref_slice %arg2[%add3A_22] : memref<16384xi32, #tpu.memory_space<hbm>> -> memref<128xi32, #tpu.memory_space<hbm>>
      %dma_wait3A_84 = tpu.memref_slice %arg2[%add3A_22] : memref<16384xi32, #tpu.memory_space<hbm>> -> memref<128xi32, #tpu.memory_space<hbm>>
      tpu.wait_dma2 semaphore(%run_scoped3A : memref<!tpu.dma_semaphore, #tpu.memory_space<semaphore_mem>>) src(%dma_wait3A_84 : memref<128xi32, #tpu.memory_space<hbm>>) dst(%arg9 : memref<128xi32, #tpu.memory_space<vmem>>)
      tpu.yield
    }) : () -> ()
    "tpu.region"() ({
      %run_scoped3A = tpu.sem_alloc : memref<!tpu.dma_semaphore, #tpu.memory_space<semaphore_mem>>
      %dma_start3A_81 = tpu.memref_slice %arg3[%add3A_22] : memref<16384xi32, #tpu.memory_space<hbm>> -> memref<128xi32, #tpu.memory_space<hbm>>
      %dma_start3A_82 = tpu.memref_slice %arg3[%add3A_22] : memref<16384xi32, #tpu.memory_space<hbm>> -> memref<128xi32, #tpu.memory_space<hbm>>
      tpu.enqueue_dma source(%dma_start3A_82 : memref<128xi32, #tpu.memory_space<hbm>>) target(%arg10 : memref<128xi32, #tpu.memory_space<vmem>>) target_semaphore(%run_scoped3A : memref<!tpu.dma_semaphore, #tpu.memory_space<semaphore_mem>>)
      %dma_wait3A_83 = tpu.memref_slice %arg3[%add3A_22] : memref<16384xi32, #tpu.memory_space<hbm>> -> memref<128xi32, #tpu.memory_space<hbm>>
      %dma_wait3A_84 = tpu.memref_slice %arg3[%add3A_22] : memref<16384xi32, #tpu.memory_space<hbm>> -> memref<128xi32, #tpu.memory_space<hbm>>
      tpu.wait_dma2 semaphore(%run_scoped3A : memref<!tpu.dma_semaphore, #tpu.memory_space<semaphore_mem>>) src(%dma_wait3A_84 : memref<128xi32, #tpu.memory_space<hbm>>) dst(%arg10 : memref<128xi32, #tpu.memory_space<vmem>>)
      tpu.yield
    }) : () -> ()
    "tpu.region"() ({
      %run_scoped3A = tpu.sem_alloc : memref<!tpu.dma_semaphore, #tpu.memory_space<semaphore_mem>>
      %dma_start3A_81 = tpu.memref_slice %arg4[%add3A_22] : memref<16384xi32, #tpu.memory_space<hbm>> -> memref<128xi32, #tpu.memory_space<hbm>>
      %dma_start3A_82 = tpu.memref_slice %arg4[%add3A_22] : memref<16384xi32, #tpu.memory_space<hbm>> -> memref<128xi32, #tpu.memory_space<hbm>>
      tpu.enqueue_dma source(%dma_start3A_82 : memref<128xi32, #tpu.memory_space<hbm>>) target(%arg11 : memref<128xi32, #tpu.memory_space<vmem>>) target_semaphore(%run_scoped3A : memref<!tpu.dma_semaphore, #tpu.memory_space<semaphore_mem>>)
      %dma_wait3A_83 = tpu.memref_slice %arg4[%add3A_22] : memref<16384xi32, #tpu.memory_space<hbm>> -> memref<128xi32, #tpu.memory_space<hbm>>
      %dma_wait3A_84 = tpu.memref_slice %arg4[%add3A_22] : memref<16384xi32, #tpu.memory_space<hbm>> -> memref<128xi32, #tpu.memory_space<hbm>>
      tpu.wait_dma2 semaphore(%run_scoped3A : memref<!tpu.dma_semaphore, #tpu.memory_space<semaphore_mem>>) src(%dma_wait3A_84 : memref<128xi32, #tpu.memory_space<hbm>>) dst(%arg11 : memref<128xi32, #tpu.memory_space<vmem>>)
      tpu.yield
    }) : () -> ()
    %dma_start3A_23 = arith.constant 0 : i32
    %dma_start3A_24 = arith.constant 0 : i32
    %dma_start3A_25 = tpu.memref_slice %arg5[%dma_start3A_23, %dma_start3A_24] : memref<100000x128xi32, #tpu.memory_space<hbm>> -> memref<100000x128xi32, #tpu.memory_space<hbm>>
    tpu.enqueue_indirect_dma source(%dma_start3A_25 : memref<100000x128xi32, #tpu.memory_space<hbm>>) target(%arg12 : memref<128x128xi32, #tpu.memory_space<vmem>>) offsets(%arg9 : memref<128xi32, #tpu.memory_space<vmem>>) semaphore(%arg15 : memref<!tpu.dma_semaphore, #tpu.memory_space<semaphore_mem>>)
    %dma_start3A_26 = arith.constant 0 : i32
    %dma_start3A_27 = arith.constant 0 : i32
    %dma_start3A_28 = tpu.memref_slice %arg5[%dma_start3A_26, %dma_start3A_27] : memref<100000x128xi32, #tpu.memory_space<hbm>> -> memref<100000x128xi32, #tpu.memory_space<hbm>>
    tpu.enqueue_indirect_dma source(%dma_start3A_28 : memref<100000x128xi32, #tpu.memory_space<hbm>>) target(%arg13 : memref<128x128xi32, #tpu.memory_space<vmem>>) offsets(%arg10 : memref<128xi32, #tpu.memory_space<vmem>>) semaphore(%arg15 : memref<!tpu.dma_semaphore, #tpu.memory_space<semaphore_mem>>)
    %dma_start3A_29 = arith.constant 0 : i32
    %dma_start3A_30 = arith.constant 0 : i32
    %dma_start3A_31 = tpu.memref_slice %arg5[%dma_start3A_29, %dma_start3A_30] : memref<100000x128xi32, #tpu.memory_space<hbm>> -> memref<100000x128xi32, #tpu.memory_space<hbm>>
    tpu.enqueue_indirect_dma source(%dma_start3A_31 : memref<100000x128xi32, #tpu.memory_space<hbm>>) target(%arg14 : memref<128x128xi32, #tpu.memory_space<vmem>>) offsets(%arg11 : memref<128xi32, #tpu.memory_space<vmem>>) semaphore(%arg15 : memref<!tpu.dma_semaphore, #tpu.memory_space<semaphore_mem>>)
    %dma_wait3A_32 = arith.constant 0 : i32
    %dma_wait3A_33 = arith.constant 0 : i32
    %dma_wait3A_34 = tpu.memref_slice %arg5[%dma_wait3A_32, %dma_wait3A_33] : memref<100000x128xi32, #tpu.memory_space<hbm>> -> memref<100000x128xi32, #tpu.memory_space<hbm>>
    tpu.wait_indirect_dma semaphore(%arg15 : memref<!tpu.dma_semaphore, #tpu.memory_space<semaphore_mem>>) src(%dma_wait3A_34 : memref<100000x128xi32, #tpu.memory_space<hbm>>) dst(%arg12 : memref<128x128xi32, #tpu.memory_space<vmem>>)
    %dma_wait3A_35 = arith.constant 0 : i32
    %dma_wait3A_36 = arith.constant 0 : i32
    %dma_wait3A_37 = tpu.memref_slice %arg5[%dma_wait3A_35, %dma_wait3A_36] : memref<100000x128xi32, #tpu.memory_space<hbm>> -> memref<100000x128xi32, #tpu.memory_space<hbm>>
    tpu.wait_indirect_dma semaphore(%arg15 : memref<!tpu.dma_semaphore, #tpu.memory_space<semaphore_mem>>) src(%dma_wait3A_37 : memref<100000x128xi32, #tpu.memory_space<hbm>>) dst(%arg13 : memref<128x128xi32, #tpu.memory_space<vmem>>)
    %dma_wait3A_38 = arith.constant 0 : i32
    %dma_wait3A_39 = arith.constant 0 : i32
    %dma_wait3A_40 = tpu.memref_slice %arg5[%dma_wait3A_38, %dma_wait3A_39] : memref<100000x128xi32, #tpu.memory_space<hbm>> -> memref<100000x128xi32, #tpu.memory_space<hbm>>
    tpu.wait_indirect_dma semaphore(%arg15 : memref<!tpu.dma_semaphore, #tpu.memory_space<semaphore_mem>>) src(%dma_wait3A_40 : memref<100000x128xi32, #tpu.memory_space<hbm>>) dst(%arg14 : memref<128x128xi32, #tpu.memory_space<vmem>>)
    "tpu.region"() ({
      %run_scoped3A = tpu.sem_alloc : memref<!tpu.dma_semaphore, #tpu.memory_space<semaphore_mem>>
      %dma_start3A_81 = arith.constant 0 : i32
      %dma_start3A_82 = tpu.memref_slice %arg6[%add3A_22, %dma_start3A_81] : memref<16384x128xi32, #tpu.memory_space<hbm>> -> memref<128x128xi32, #tpu.memory_space<hbm>>
      %dma_start3A_83 = arith.constant 0 : i32
      %dma_start3A_84 = tpu.memref_slice %arg6[%add3A_22, %dma_start3A_83] : memref<16384x128xi32, #tpu.memory_space<hbm>> -> memref<128x128xi32, #tpu.memory_space<hbm>>
      tpu.enqueue_dma source(%arg12 : memref<128x128xi32, #tpu.memory_space<vmem>>) target(%dma_start3A_84 : memref<128x128xi32, #tpu.memory_space<hbm>>) target_semaphore(%run_scoped3A : memref<!tpu.dma_semaphore, #tpu.memory_space<semaphore_mem>>)
      %dma_wait3A_85 = arith.constant 0 : i32
      %dma_wait3A_86 = tpu.memref_slice %arg6[%add3A_22, %dma_wait3A_85] : memref<16384x128xi32, #tpu.memory_space<hbm>> -> memref<128x128xi32, #tpu.memory_space<hbm>>
      %dma_wait3A_87 = arith.constant 0 : i32
      %dma_wait3A_88 = tpu.memref_slice %arg6[%add3A_22, %dma_wait3A_87] : memref<16384x128xi32, #tpu.memory_space<hbm>> -> memref<128x128xi32, #tpu.memory_space<hbm>>
      tpu.wait_dma2 semaphore(%run_scoped3A : memref<!tpu.dma_semaphore, #tpu.memory_space<semaphore_mem>>) src(%arg12 : memref<128x128xi32, #tpu.memory_space<vmem>>) dst(%dma_wait3A_88 : memref<128x128xi32, #tpu.memory_space<hbm>>)
      tpu.yield
    }) : () -> ()
    "tpu.region"() ({
      %run_scoped3A = tpu.sem_alloc : memref<!tpu.dma_semaphore, #tpu.memory_space<semaphore_mem>>
      %dma_start3A_81 = arith.constant 0 : i32
      %dma_start3A_82 = tpu.memref_slice %arg7[%add3A_22, %dma_start3A_81] : memref<16384x128xi32, #tpu.memory_space<hbm>> -> memref<128x128xi32, #tpu.memory_space<hbm>>
      %dma_start3A_83 = arith.constant 0 : i32
      %dma_start3A_84 = tpu.memref_slice %arg7[%add3A_22, %dma_start3A_83] : memref<16384x128xi32, #tpu.memory_space<hbm>> -> memref<128x128xi32, #tpu.memory_space<hbm>>
      tpu.enqueue_dma source(%arg13 : memref<128x128xi32, #tpu.memory_space<vmem>>) target(%dma_start3A_84 : memref<128x128xi32, #tpu.memory_space<hbm>>) target_semaphore(%run_scoped3A : memref<!tpu.dma_semaphore, #tpu.memory_space<semaphore_mem>>)
      %dma_wait3A_85 = arith.constant 0 : i32
      %dma_wait3A_86 = tpu.memref_slice %arg7[%add3A_22, %dma_wait3A_85] : memref<16384x128xi32, #tpu.memory_space<hbm>> -> memref<128x128xi32, #tpu.memory_space<hbm>>
      %dma_wait3A_87 = arith.constant 0 : i32
      %dma_wait3A_88 = tpu.memref_slice %arg7[%add3A_22, %dma_wait3A_87] : memref<16384x128xi32, #tpu.memory_space<hbm>> -> memref<128x128xi32, #tpu.memory_space<hbm>>
      tpu.wait_dma2 semaphore(%run_scoped3A : memref<!tpu.dma_semaphore, #tpu.memory_space<semaphore_mem>>) src(%arg13 : memref<128x128xi32, #tpu.memory_space<vmem>>) dst(%dma_wait3A_88 : memref<128x128xi32, #tpu.memory_space<hbm>>)
      tpu.yield
    }) : () -> ()
    "tpu.region"() ({
      %run_scoped3A = tpu.sem_alloc : memref<!tpu.dma_semaphore, #tpu.memory_space<semaphore_mem>>
      %dma_start3A_81 = arith.constant 0 : i32
      %dma_start3A_82 = tpu.memref_slice %arg8[%add3A_22, %dma_start3A_81] : memref<16384x128xi32, #tpu.memory_space<hbm>> -> memref<128x128xi32, #tpu.memory_space<hbm>>
      %dma_start3A_83 = arith.constant 0 : i32
      %dma_start3A_84 = tpu.memref_slice %arg8[%add3A_22, %dma_start3A_83] : memref<16384x128xi32, #tpu.memory_space<hbm>> -> memref<128x128xi32, #tpu.memory_space<hbm>>
      tpu.enqueue_dma source(%arg14 : memref<128x128xi32, #tpu.memory_space<vmem>>) target(%dma_start3A_84 : memref<128x128xi32, #tpu.memory_space<hbm>>) target_semaphore(%run_scoped3A : memref<!tpu.dma_semaphore, #tpu.memory_space<semaphore_mem>>)
      %dma_wait3A_85 = arith.constant 0 : i32
      %dma_wait3A_86 = tpu.memref_slice %arg8[%add3A_22, %dma_wait3A_85] : memref<16384x128xi32, #tpu.memory_space<hbm>> -> memref<128x128xi32, #tpu.memory_space<hbm>>
      %dma_wait3A_87 = arith.constant 0 : i32
      %dma_wait3A_88 = tpu.memref_slice %arg8[%add3A_22, %dma_wait3A_87] : memref<16384x128xi32, #tpu.memory_space<hbm>> -> memref<128x128xi32, #tpu.memory_space<hbm>>
      tpu.wait_dma2 semaphore(%run_scoped3A : memref<!tpu.dma_semaphore, #tpu.memory_space<semaphore_mem>>) src(%arg14 : memref<128x128xi32, #tpu.memory_space<vmem>>) dst(%dma_wait3A_88 : memref<128x128xi32, #tpu.memory_space<hbm>>)
      tpu.yield
    }) : () -> ()
    %add3A_41 = arith.constant 256 : i32
    %add3A_42 = arith.addi %mul3A_2, %add3A_41 : i32
    "tpu.region"() ({
      %run_scoped3A = tpu.sem_alloc : memref<!tpu.dma_semaphore, #tpu.memory_space<semaphore_mem>>
      %dma_start3A_81 = tpu.memref_slice %arg2[%add3A_42] : memref<16384xi32, #tpu.memory_space<hbm>> -> memref<128xi32, #tpu.memory_space<hbm>>
      %dma_start3A_82 = tpu.memref_slice %arg2[%add3A_42] : memref<16384xi32, #tpu.memory_space<hbm>> -> memref<128xi32, #tpu.memory_space<hbm>>
      tpu.enqueue_dma source(%dma_start3A_82 : memref<128xi32, #tpu.memory_space<hbm>>) target(%arg9 : memref<128xi32, #tpu.memory_space<vmem>>) target_semaphore(%run_scoped3A : memref<!tpu.dma_semaphore, #tpu.memory_space<semaphore_mem>>)
      %dma_wait3A_83 = tpu.memref_slice %arg2[%add3A_42] : memref<16384xi32, #tpu.memory_space<hbm>> -> memref<128xi32, #tpu.memory_space<hbm>>
      %dma_wait3A_84 = tpu.memref_slice %arg2[%add3A_42] : memref<16384xi32, #tpu.memory_space<hbm>> -> memref<128xi32, #tpu.memory_space<hbm>>
      tpu.wait_dma2 semaphore(%run_scoped3A : memref<!tpu.dma_semaphore, #tpu.memory_space<semaphore_mem>>) src(%dma_wait3A_84 : memref<128xi32, #tpu.memory_space<hbm>>) dst(%arg9 : memref<128xi32, #tpu.memory_space<vmem>>)
      tpu.yield
    }) : () -> ()
    "tpu.region"() ({
      %run_scoped3A = tpu.sem_alloc : memref<!tpu.dma_semaphore, #tpu.memory_space<semaphore_mem>>
      %dma_start3A_81 = tpu.memref_slice %arg3[%add3A_42] : memref<16384xi32, #tpu.memory_space<hbm>> -> memref<128xi32, #tpu.memory_space<hbm>>
      %dma_start3A_82 = tpu.memref_slice %arg3[%add3A_42] : memref<16384xi32, #tpu.memory_space<hbm>> -> memref<128xi32, #tpu.memory_space<hbm>>
      tpu.enqueue_dma source(%dma_start3A_82 : memref<128xi32, #tpu.memory_space<hbm>>) target(%arg10 : memref<128xi32, #tpu.memory_space<vmem>>) target_semaphore(%run_scoped3A : memref<!tpu.dma_semaphore, #tpu.memory_space<semaphore_mem>>)
      %dma_wait3A_83 = tpu.memref_slice %arg3[%add3A_42] : memref<16384xi32, #tpu.memory_space<hbm>> -> memref<128xi32, #tpu.memory_space<hbm>>
      %dma_wait3A_84 = tpu.memref_slice %arg3[%add3A_42] : memref<16384xi32, #tpu.memory_space<hbm>> -> memref<128xi32, #tpu.memory_space<hbm>>
      tpu.wait_dma2 semaphore(%run_scoped3A : memref<!tpu.dma_semaphore, #tpu.memory_space<semaphore_mem>>) src(%dma_wait3A_84 : memref<128xi32, #tpu.memory_space<hbm>>) dst(%arg10 : memref<128xi32, #tpu.memory_space<vmem>>)
      tpu.yield
    }) : () -> ()
    "tpu.region"() ({
      %run_scoped3A = tpu.sem_alloc : memref<!tpu.dma_semaphore, #tpu.memory_space<semaphore_mem>>
      %dma_start3A_81 = tpu.memref_slice %arg4[%add3A_42] : memref<16384xi32, #tpu.memory_space<hbm>> -> memref<128xi32, #tpu.memory_space<hbm>>
      %dma_start3A_82 = tpu.memref_slice %arg4[%add3A_42] : memref<16384xi32, #tpu.memory_space<hbm>> -> memref<128xi32, #tpu.memory_space<hbm>>
      tpu.enqueue_dma source(%dma_start3A_82 : memref<128xi32, #tpu.memory_space<hbm>>) target(%arg11 : memref<128xi32, #tpu.memory_space<vmem>>) target_semaphore(%run_scoped3A : memref<!tpu.dma_semaphore, #tpu.memory_space<semaphore_mem>>)
      %dma_wait3A_83 = tpu.memref_slice %arg4[%add3A_42] : memref<16384xi32, #tpu.memory_space<hbm>> -> memref<128xi32, #tpu.memory_space<hbm>>
      %dma_wait3A_84 = tpu.memref_slice %arg4[%add3A_42] : memref<16384xi32, #tpu.memory_space<hbm>> -> memref<128xi32, #tpu.memory_space<hbm>>
      tpu.wait_dma2 semaphore(%run_scoped3A : memref<!tpu.dma_semaphore, #tpu.memory_space<semaphore_mem>>) src(%dma_wait3A_84 : memref<128xi32, #tpu.memory_space<hbm>>) dst(%arg11 : memref<128xi32, #tpu.memory_space<vmem>>)
      tpu.yield
    }) : () -> ()
    %dma_start3A_43 = arith.constant 0 : i32
    %dma_start3A_44 = arith.constant 0 : i32
    %dma_start3A_45 = tpu.memref_slice %arg5[%dma_start3A_43, %dma_start3A_44] : memref<100000x128xi32, #tpu.memory_space<hbm>> -> memref<100000x128xi32, #tpu.memory_space<hbm>>
    tpu.enqueue_indirect_dma source(%dma_start3A_45 : memref<100000x128xi32, #tpu.memory_space<hbm>>) target(%arg12 : memref<128x128xi32, #tpu.memory_space<vmem>>) offsets(%arg9 : memref<128xi32, #tpu.memory_space<vmem>>) semaphore(%arg15 : memref<!tpu.dma_semaphore, #tpu.memory_space<semaphore_mem>>)
    %dma_start3A_46 = arith.constant 0 : i32
    %dma_start3A_47 = arith.constant 0 : i32
    %dma_start3A_48 = tpu.memref_slice %arg5[%dma_start3A_46, %dma_start3A_47] : memref<100000x128xi32, #tpu.memory_space<hbm>> -> memref<100000x128xi32, #tpu.memory_space<hbm>>
    tpu.enqueue_indirect_dma source(%dma_start3A_48 : memref<100000x128xi32, #tpu.memory_space<hbm>>) target(%arg13 : memref<128x128xi32, #tpu.memory_space<vmem>>) offsets(%arg10 : memref<128xi32, #tpu.memory_space<vmem>>) semaphore(%arg15 : memref<!tpu.dma_semaphore, #tpu.memory_space<semaphore_mem>>)
    %dma_start3A_49 = arith.constant 0 : i32
    %dma_start3A_50 = arith.constant 0 : i32
    %dma_start3A_51 = tpu.memref_slice %arg5[%dma_start3A_49, %dma_start3A_50] : memref<100000x128xi32, #tpu.memory_space<hbm>> -> memref<100000x128xi32, #tpu.memory_space<hbm>>
    tpu.enqueue_indirect_dma source(%dma_start3A_51 : memref<100000x128xi32, #tpu.memory_space<hbm>>) target(%arg14 : memref<128x128xi32, #tpu.memory_space<vmem>>) offsets(%arg11 : memref<128xi32, #tpu.memory_space<vmem>>) semaphore(%arg15 : memref<!tpu.dma_semaphore, #tpu.memory_space<semaphore_mem>>)
    %dma_wait3A_52 = arith.constant 0 : i32
    %dma_wait3A_53 = arith.constant 0 : i32
    %dma_wait3A_54 = tpu.memref_slice %arg5[%dma_wait3A_52, %dma_wait3A_53] : memref<100000x128xi32, #tpu.memory_space<hbm>> -> memref<100000x128xi32, #tpu.memory_space<hbm>>
    tpu.wait_indirect_dma semaphore(%arg15 : memref<!tpu.dma_semaphore, #tpu.memory_space<semaphore_mem>>) src(%dma_wait3A_54 : memref<100000x128xi32, #tpu.memory_space<hbm>>) dst(%arg12 : memref<128x128xi32, #tpu.memory_space<vmem>>)
    %dma_wait3A_55 = arith.constant 0 : i32
    %dma_wait3A_56 = arith.constant 0 : i32
    %dma_wait3A_57 = tpu.memref_slice %arg5[%dma_wait3A_55, %dma_wait3A_56] : memref<100000x128xi32, #tpu.memory_space<hbm>> -> memref<100000x128xi32, #tpu.memory_space<hbm>>
    tpu.wait_indirect_dma semaphore(%arg15 : memref<!tpu.dma_semaphore, #tpu.memory_space<semaphore_mem>>) src(%dma_wait3A_57 : memref<100000x128xi32, #tpu.memory_space<hbm>>) dst(%arg13 : memref<128x128xi32, #tpu.memory_space<vmem>>)
    %dma_wait3A_58 = arith.constant 0 : i32
    %dma_wait3A_59 = arith.constant 0 : i32
    %dma_wait3A_60 = tpu.memref_slice %arg5[%dma_wait3A_58, %dma_wait3A_59] : memref<100000x128xi32, #tpu.memory_space<hbm>> -> memref<100000x128xi32, #tpu.memory_space<hbm>>
    tpu.wait_indirect_dma semaphore(%arg15 : memref<!tpu.dma_semaphore, #tpu.memory_space<semaphore_mem>>) src(%dma_wait3A_60 : memref<100000x128xi32, #tpu.memory_space<hbm>>) dst(%arg14 : memref<128x128xi32, #tpu.memory_space<vmem>>)
    "tpu.region"() ({
      %run_scoped3A = tpu.sem_alloc : memref<!tpu.dma_semaphore, #tpu.memory_space<semaphore_mem>>
      %dma_start3A_81 = arith.constant 0 : i32
      %dma_start3A_82 = tpu.memref_slice %arg6[%add3A_42, %dma_start3A_81] : memref<16384x128xi32, #tpu.memory_space<hbm>> -> memref<128x128xi32, #tpu.memory_space<hbm>>
      %dma_start3A_83 = arith.constant 0 : i32
      %dma_start3A_84 = tpu.memref_slice %arg6[%add3A_42, %dma_start3A_83] : memref<16384x128xi32, #tpu.memory_space<hbm>> -> memref<128x128xi32, #tpu.memory_space<hbm>>
      tpu.enqueue_dma source(%arg12 : memref<128x128xi32, #tpu.memory_space<vmem>>) target(%dma_start3A_84 : memref<128x128xi32, #tpu.memory_space<hbm>>) target_semaphore(%run_scoped3A : memref<!tpu.dma_semaphore, #tpu.memory_space<semaphore_mem>>)
      %dma_wait3A_85 = arith.constant 0 : i32
      %dma_wait3A_86 = tpu.memref_slice %arg6[%add3A_42, %dma_wait3A_85] : memref<16384x128xi32, #tpu.memory_space<hbm>> -> memref<128x128xi32, #tpu.memory_space<hbm>>
      %dma_wait3A_87 = arith.constant 0 : i32
      %dma_wait3A_88 = tpu.memref_slice %arg6[%add3A_42, %dma_wait3A_87] : memref<16384x128xi32, #tpu.memory_space<hbm>> -> memref<128x128xi32, #tpu.memory_space<hbm>>
      tpu.wait_dma2 semaphore(%run_scoped3A : memref<!tpu.dma_semaphore, #tpu.memory_space<semaphore_mem>>) src(%arg12 : memref<128x128xi32, #tpu.memory_space<vmem>>) dst(%dma_wait3A_88 : memref<128x128xi32, #tpu.memory_space<hbm>>)
      tpu.yield
    }) : () -> ()
    "tpu.region"() ({
      %run_scoped3A = tpu.sem_alloc : memref<!tpu.dma_semaphore, #tpu.memory_space<semaphore_mem>>
      %dma_start3A_81 = arith.constant 0 : i32
      %dma_start3A_82 = tpu.memref_slice %arg7[%add3A_42, %dma_start3A_81] : memref<16384x128xi32, #tpu.memory_space<hbm>> -> memref<128x128xi32, #tpu.memory_space<hbm>>
      %dma_start3A_83 = arith.constant 0 : i32
      %dma_start3A_84 = tpu.memref_slice %arg7[%add3A_42, %dma_start3A_83] : memref<16384x128xi32, #tpu.memory_space<hbm>> -> memref<128x128xi32, #tpu.memory_space<hbm>>
      tpu.enqueue_dma source(%arg13 : memref<128x128xi32, #tpu.memory_space<vmem>>) target(%dma_start3A_84 : memref<128x128xi32, #tpu.memory_space<hbm>>) target_semaphore(%run_scoped3A : memref<!tpu.dma_semaphore, #tpu.memory_space<semaphore_mem>>)
      %dma_wait3A_85 = arith.constant 0 : i32
      %dma_wait3A_86 = tpu.memref_slice %arg7[%add3A_42, %dma_wait3A_85] : memref<16384x128xi32, #tpu.memory_space<hbm>> -> memref<128x128xi32, #tpu.memory_space<hbm>>
      %dma_wait3A_87 = arith.constant 0 : i32
      %dma_wait3A_88 = tpu.memref_slice %arg7[%add3A_42, %dma_wait3A_87] : memref<16384x128xi32, #tpu.memory_space<hbm>> -> memref<128x128xi32, #tpu.memory_space<hbm>>
      tpu.wait_dma2 semaphore(%run_scoped3A : memref<!tpu.dma_semaphore, #tpu.memory_space<semaphore_mem>>) src(%arg13 : memref<128x128xi32, #tpu.memory_space<vmem>>) dst(%dma_wait3A_88 : memref<128x128xi32, #tpu.memory_space<hbm>>)
      tpu.yield
    }) : () -> ()
    "tpu.region"() ({
      %run_scoped3A = tpu.sem_alloc : memref<!tpu.dma_semaphore, #tpu.memory_space<semaphore_mem>>
      %dma_start3A_81 = arith.constant 0 : i32
      %dma_start3A_82 = tpu.memref_slice %arg8[%add3A_42, %dma_start3A_81] : memref<16384x128xi32, #tpu.memory_space<hbm>> -> memref<128x128xi32, #tpu.memory_space<hbm>>
      %dma_start3A_83 = arith.constant 0 : i32
      %dma_start3A_84 = tpu.memref_slice %arg8[%add3A_42, %dma_start3A_83] : memref<16384x128xi32, #tpu.memory_space<hbm>> -> memref<128x128xi32, #tpu.memory_space<hbm>>
      tpu.enqueue_dma source(%arg14 : memref<128x128xi32, #tpu.memory_space<vmem>>) target(%dma_start3A_84 : memref<128x128xi32, #tpu.memory_space<hbm>>) target_semaphore(%run_scoped3A : memref<!tpu.dma_semaphore, #tpu.memory_space<semaphore_mem>>)
      %dma_wait3A_85 = arith.constant 0 : i32
      %dma_wait3A_86 = tpu.memref_slice %arg8[%add3A_42, %dma_wait3A_85] : memref<16384x128xi32, #tpu.memory_space<hbm>> -> memref<128x128xi32, #tpu.memory_space<hbm>>
      %dma_wait3A_87 = arith.constant 0 : i32
      %dma_wait3A_88 = tpu.memref_slice %arg8[%add3A_42, %dma_wait3A_87] : memref<16384x128xi32, #tpu.memory_space<hbm>> -> memref<128x128xi32, #tpu.memory_space<hbm>>
      tpu.wait_dma2 semaphore(%run_scoped3A : memref<!tpu.dma_semaphore, #tpu.memory_space<semaphore_mem>>) src(%arg14 : memref<128x128xi32, #tpu.memory_space<vmem>>) dst(%dma_wait3A_88 : memref<128x128xi32, #tpu.memory_space<hbm>>)
      tpu.yield
    }) : () -> ()
    %add3A_61 = arith.constant 384 : i32
    %add3A_62 = arith.addi %mul3A_2, %add3A_61 : i32
    "tpu.region"() ({
      %run_scoped3A = tpu.sem_alloc : memref<!tpu.dma_semaphore, #tpu.memory_space<semaphore_mem>>
      %dma_start3A_81 = tpu.memref_slice %arg2[%add3A_62] : memref<16384xi32, #tpu.memory_space<hbm>> -> memref<128xi32, #tpu.memory_space<hbm>>
      %dma_start3A_82 = tpu.memref_slice %arg2[%add3A_62] : memref<16384xi32, #tpu.memory_space<hbm>> -> memref<128xi32, #tpu.memory_space<hbm>>
      tpu.enqueue_dma source(%dma_start3A_82 : memref<128xi32, #tpu.memory_space<hbm>>) target(%arg9 : memref<128xi32, #tpu.memory_space<vmem>>) target_semaphore(%run_scoped3A : memref<!tpu.dma_semaphore, #tpu.memory_space<semaphore_mem>>)
      %dma_wait3A_83 = tpu.memref_slice %arg2[%add3A_62] : memref<16384xi32, #tpu.memory_space<hbm>> -> memref<128xi32, #tpu.memory_space<hbm>>
      %dma_wait3A_84 = tpu.memref_slice %arg2[%add3A_62] : memref<16384xi32, #tpu.memory_space<hbm>> -> memref<128xi32, #tpu.memory_space<hbm>>
      tpu.wait_dma2 semaphore(%run_scoped3A : memref<!tpu.dma_semaphore, #tpu.memory_space<semaphore_mem>>) src(%dma_wait3A_84 : memref<128xi32, #tpu.memory_space<hbm>>) dst(%arg9 : memref<128xi32, #tpu.memory_space<vmem>>)
      tpu.yield
    }) : () -> ()
    "tpu.region"() ({
      %run_scoped3A = tpu.sem_alloc : memref<!tpu.dma_semaphore, #tpu.memory_space<semaphore_mem>>
      %dma_start3A_81 = tpu.memref_slice %arg3[%add3A_62] : memref<16384xi32, #tpu.memory_space<hbm>> -> memref<128xi32, #tpu.memory_space<hbm>>
      %dma_start3A_82 = tpu.memref_slice %arg3[%add3A_62] : memref<16384xi32, #tpu.memory_space<hbm>> -> memref<128xi32, #tpu.memory_space<hbm>>
      tpu.enqueue_dma source(%dma_start3A_82 : memref<128xi32, #tpu.memory_space<hbm>>) target(%arg10 : memref<128xi32, #tpu.memory_space<vmem>>) target_semaphore(%run_scoped3A : memref<!tpu.dma_semaphore, #tpu.memory_space<semaphore_mem>>)
      %dma_wait3A_83 = tpu.memref_slice %arg3[%add3A_62] : memref<16384xi32, #tpu.memory_space<hbm>> -> memref<128xi32, #tpu.memory_space<hbm>>
      %dma_wait3A_84 = tpu.memref_slice %arg3[%add3A_62] : memref<16384xi32, #tpu.memory_space<hbm>> -> memref<128xi32, #tpu.memory_space<hbm>>
      tpu.wait_dma2 semaphore(%run_scoped3A : memref<!tpu.dma_semaphore, #tpu.memory_space<semaphore_mem>>) src(%dma_wait3A_84 : memref<128xi32, #tpu.memory_space<hbm>>) dst(%arg10 : memref<128xi32, #tpu.memory_space<vmem>>)
      tpu.yield
    }) : () -> ()
    "tpu.region"() ({
      %run_scoped3A = tpu.sem_alloc : memref<!tpu.dma_semaphore, #tpu.memory_space<semaphore_mem>>
      %dma_start3A_81 = tpu.memref_slice %arg4[%add3A_62] : memref<16384xi32, #tpu.memory_space<hbm>> -> memref<128xi32, #tpu.memory_space<hbm>>
      %dma_start3A_82 = tpu.memref_slice %arg4[%add3A_62] : memref<16384xi32, #tpu.memory_space<hbm>> -> memref<128xi32, #tpu.memory_space<hbm>>
      tpu.enqueue_dma source(%dma_start3A_82 : memref<128xi32, #tpu.memory_space<hbm>>) target(%arg11 : memref<128xi32, #tpu.memory_space<vmem>>) target_semaphore(%run_scoped3A : memref<!tpu.dma_semaphore, #tpu.memory_space<semaphore_mem>>)
      %dma_wait3A_83 = tpu.memref_slice %arg4[%add3A_62] : memref<16384xi32, #tpu.memory_space<hbm>> -> memref<128xi32, #tpu.memory_space<hbm>>
      %dma_wait3A_84 = tpu.memref_slice %arg4[%add3A_62] : memref<16384xi32, #tpu.memory_space<hbm>> -> memref<128xi32, #tpu.memory_space<hbm>>
      tpu.wait_dma2 semaphore(%run_scoped3A : memref<!tpu.dma_semaphore, #tpu.memory_space<semaphore_mem>>) src(%dma_wait3A_84 : memref<128xi32, #tpu.memory_space<hbm>>) dst(%arg11 : memref<128xi32, #tpu.memory_space<vmem>>)
      tpu.yield
    }) : () -> ()
    %dma_start3A_63 = arith.constant 0 : i32
    %dma_start3A_64 = arith.constant 0 : i32
    %dma_start3A_65 = tpu.memref_slice %arg5[%dma_start3A_63, %dma_start3A_64] : memref<100000x128xi32, #tpu.memory_space<hbm>> -> memref<100000x128xi32, #tpu.memory_space<hbm>>
    tpu.enqueue_indirect_dma source(%dma_start3A_65 : memref<100000x128xi32, #tpu.memory_space<hbm>>) target(%arg12 : memref<128x128xi32, #tpu.memory_space<vmem>>) offsets(%arg9 : memref<128xi32, #tpu.memory_space<vmem>>) semaphore(%arg15 : memref<!tpu.dma_semaphore, #tpu.memory_space<semaphore_mem>>)
    %dma_start3A_66 = arith.constant 0 : i32
    %dma_start3A_67 = arith.constant 0 : i32
    %dma_start3A_68 = tpu.memref_slice %arg5[%dma_start3A_66, %dma_start3A_67] : memref<100000x128xi32, #tpu.memory_space<hbm>> -> memref<100000x128xi32, #tpu.memory_space<hbm>>
    tpu.enqueue_indirect_dma source(%dma_start3A_68 : memref<100000x128xi32, #tpu.memory_space<hbm>>) target(%arg13 : memref<128x128xi32, #tpu.memory_space<vmem>>) offsets(%arg10 : memref<128xi32, #tpu.memory_space<vmem>>) semaphore(%arg15 : memref<!tpu.dma_semaphore, #tpu.memory_space<semaphore_mem>>)
    %dma_start3A_69 = arith.constant 0 : i32
    %dma_start3A_70 = arith.constant 0 : i32
    %dma_start3A_71 = tpu.memref_slice %arg5[%dma_start3A_69, %dma_start3A_70] : memref<100000x128xi32, #tpu.memory_space<hbm>> -> memref<100000x128xi32, #tpu.memory_space<hbm>>
    tpu.enqueue_indirect_dma source(%dma_start3A_71 : memref<100000x128xi32, #tpu.memory_space<hbm>>) target(%arg14 : memref<128x128xi32, #tpu.memory_space<vmem>>) offsets(%arg11 : memref<128xi32, #tpu.memory_space<vmem>>) semaphore(%arg15 : memref<!tpu.dma_semaphore, #tpu.memory_space<semaphore_mem>>)
    %dma_wait3A_72 = arith.constant 0 : i32
    %dma_wait3A_73 = arith.constant 0 : i32
    %dma_wait3A_74 = tpu.memref_slice %arg5[%dma_wait3A_72, %dma_wait3A_73] : memref<100000x128xi32, #tpu.memory_space<hbm>> -> memref<100000x128xi32, #tpu.memory_space<hbm>>
    tpu.wait_indirect_dma semaphore(%arg15 : memref<!tpu.dma_semaphore, #tpu.memory_space<semaphore_mem>>) src(%dma_wait3A_74 : memref<100000x128xi32, #tpu.memory_space<hbm>>) dst(%arg12 : memref<128x128xi32, #tpu.memory_space<vmem>>)
    %dma_wait3A_75 = arith.constant 0 : i32
    %dma_wait3A_76 = arith.constant 0 : i32
    %dma_wait3A_77 = tpu.memref_slice %arg5[%dma_wait3A_75, %dma_wait3A_76] : memref<100000x128xi32, #tpu.memory_space<hbm>> -> memref<100000x128xi32, #tpu.memory_space<hbm>>
    tpu.wait_indirect_dma semaphore(%arg15 : memref<!tpu.dma_semaphore, #tpu.memory_space<semaphore_mem>>) src(%dma_wait3A_77 : memref<100000x128xi32, #tpu.memory_space<hbm>>) dst(%arg13 : memref<128x128xi32, #tpu.memory_space<vmem>>)
    %dma_wait3A_78 = arith.constant 0 : i32
    %dma_wait3A_79 = arith.constant 0 : i32
    %dma_wait3A_80 = tpu.memref_slice %arg5[%dma_wait3A_78, %dma_wait3A_79] : memref<100000x128xi32, #tpu.memory_space<hbm>> -> memref<100000x128xi32, #tpu.memory_space<hbm>>
    tpu.wait_indirect_dma semaphore(%arg15 : memref<!tpu.dma_semaphore, #tpu.memory_space<semaphore_mem>>) src(%dma_wait3A_80 : memref<100000x128xi32, #tpu.memory_space<hbm>>) dst(%arg14 : memref<128x128xi32, #tpu.memory_space<vmem>>)
    "tpu.region"() ({
      %run_scoped3A = tpu.sem_alloc : memref<!tpu.dma_semaphore, #tpu.memory_space<semaphore_mem>>
      %dma_start3A_81 = arith.constant 0 : i32
      %dma_start3A_82 = tpu.memref_slice %arg6[%add3A_62, %dma_start3A_81] : memref<16384x128xi32, #tpu.memory_space<hbm>> -> memref<128x128xi32, #tpu.memory_space<hbm>>
      %dma_start3A_83 = arith.constant 0 : i32
      %dma_start3A_84 = tpu.memref_slice %arg6[%add3A_62, %dma_start3A_83] : memref<16384x128xi32, #tpu.memory_space<hbm>> -> memref<128x128xi32, #tpu.memory_space<hbm>>
      tpu.enqueue_dma source(%arg12 : memref<128x128xi32, #tpu.memory_space<vmem>>) target(%dma_start3A_84 : memref<128x128xi32, #tpu.memory_space<hbm>>) target_semaphore(%run_scoped3A : memref<!tpu.dma_semaphore, #tpu.memory_space<semaphore_mem>>)
      %dma_wait3A_85 = arith.constant 0 : i32
      %dma_wait3A_86 = tpu.memref_slice %arg6[%add3A_62, %dma_wait3A_85] : memref<16384x128xi32, #tpu.memory_space<hbm>> -> memref<128x128xi32, #tpu.memory_space<hbm>>
      %dma_wait3A_87 = arith.constant 0 : i32
      %dma_wait3A_88 = tpu.memref_slice %arg6[%add3A_62, %dma_wait3A_87] : memref<16384x128xi32, #tpu.memory_space<hbm>> -> memref<128x128xi32, #tpu.memory_space<hbm>>
      tpu.wait_dma2 semaphore(%run_scoped3A : memref<!tpu.dma_semaphore, #tpu.memory_space<semaphore_mem>>) src(%arg12 : memref<128x128xi32, #tpu.memory_space<vmem>>) dst(%dma_wait3A_88 : memref<128x128xi32, #tpu.memory_space<hbm>>)
      tpu.yield
    }) : () -> ()
    "tpu.region"() ({
      %run_scoped3A = tpu.sem_alloc : memref<!tpu.dma_semaphore, #tpu.memory_space<semaphore_mem>>
      %dma_start3A_81 = arith.constant 0 : i32
      %dma_start3A_82 = tpu.memref_slice %arg7[%add3A_62, %dma_start3A_81] : memref<16384x128xi32, #tpu.memory_space<hbm>> -> memref<128x128xi32, #tpu.memory_space<hbm>>
      %dma_start3A_83 = arith.constant 0 : i32
      %dma_start3A_84 = tpu.memref_slice %arg7[%add3A_62, %dma_start3A_83] : memref<16384x128xi32, #tpu.memory_space<hbm>> -> memref<128x128xi32, #tpu.memory_space<hbm>>
      tpu.enqueue_dma source(%arg13 : memref<128x128xi32, #tpu.memory_space<vmem>>) target(%dma_start3A_84 : memref<128x128xi32, #tpu.memory_space<hbm>>) target_semaphore(%run_scoped3A : memref<!tpu.dma_semaphore, #tpu.memory_space<semaphore_mem>>)
      %dma_wait3A_85 = arith.constant 0 : i32
      %dma_wait3A_86 = tpu.memref_slice %arg7[%add3A_62, %dma_wait3A_85] : memref<16384x128xi32, #tpu.memory_space<hbm>> -> memref<128x128xi32, #tpu.memory_space<hbm>>
      %dma_wait3A_87 = arith.constant 0 : i32
      %dma_wait3A_88 = tpu.memref_slice %arg7[%add3A_62, %dma_wait3A_87] : memref<16384x128xi32, #tpu.memory_space<hbm>> -> memref<128x128xi32, #tpu.memory_space<hbm>>
      tpu.wait_dma2 semaphore(%run_scoped3A : memref<!tpu.dma_semaphore, #tpu.memory_space<semaphore_mem>>) src(%arg13 : memref<128x128xi32, #tpu.memory_space<vmem>>) dst(%dma_wait3A_88 : memref<128x128xi32, #tpu.memory_space<hbm>>)
      tpu.yield
    }) : () -> ()
    "tpu.region"() ({
      %run_scoped3A = tpu.sem_alloc : memref<!tpu.dma_semaphore, #tpu.memory_space<semaphore_mem>>
      %dma_start3A_81 = arith.constant 0 : i32
      %dma_start3A_82 = tpu.memref_slice %arg8[%add3A_62, %dma_start3A_81] : memref<16384x128xi32, #tpu.memory_space<hbm>> -> memref<128x128xi32, #tpu.memory_space<hbm>>
      %dma_start3A_83 = arith.constant 0 : i32
      %dma_start3A_84 = tpu.memref_slice %arg8[%add3A_62, %dma_start3A_83] : memref<16384x128xi32, #tpu.memory_space<hbm>> -> memref<128x128xi32, #tpu.memory_space<hbm>>
      tpu.enqueue_dma source(%arg14 : memref<128x128xi32, #tpu.memory_space<vmem>>) target(%dma_start3A_84 : memref<128x128xi32, #tpu.memory_space<hbm>>) target_semaphore(%run_scoped3A : memref<!tpu.dma_semaphore, #tpu.memory_space<semaphore_mem>>)
      %dma_wait3A_85 = arith.constant 0 : i32
      %dma_wait3A_86 = tpu.memref_slice %arg8[%add3A_62, %dma_wait3A_85] : memref<16384x128xi32, #tpu.memory_space<hbm>> -> memref<128x128xi32, #tpu.memory_space<hbm>>
      %dma_wait3A_87 = arith.constant 0 : i32
      %dma_wait3A_88 = tpu.memref_slice %arg8[%add3A_62, %dma_wait3A_87] : memref<16384x128xi32, #tpu.memory_space<hbm>> -> memref<128x128xi32, #tpu.memory_space<hbm>>
      tpu.wait_dma2 semaphore(%run_scoped3A : memref<!tpu.dma_semaphore, #tpu.memory_space<semaphore_mem>>) src(%arg14 : memref<128x128xi32, #tpu.memory_space<vmem>>) dst(%dma_wait3A_88 : memref<128x128xi32, #tpu.memory_space<hbm>>)
      tpu.yield
    }) : () -> ()
    return
  }
}

#map = affine_map<(d0, d1) -> (0)>
#map1 = affine_map<(d0, d1) -> (0, 0)>
module attributes {stable_mosaic.version = 14 : i64} {
  func.func @k(%arg0: i32, %arg1: i32, %arg2: memref<16384xi32, #tpu.memory_space<hbm>>, %arg3: memref<16384xi32, #tpu.memory_space<hbm>>, %arg4: memref<100000x128xf32, #tpu.memory_space<hbm>>, %arg5: memref<100000x128xf32, #tpu.memory_space<hbm>>, %arg6: memref<16384x128xf32, #tpu.memory_space<hbm>>, %arg7: memref<16384x128xf32, #tpu.memory_space<hbm>>, %arg8: memref<128xi32, #tpu.memory_space<vmem>>, %arg9: memref<128xi32, #tpu.memory_space<vmem>>, %arg10: memref<128x128xf32, #tpu.memory_space<vmem>>, %arg11: memref<128x128xf32, #tpu.memory_space<vmem>>, %arg12: memref<!tpu.dma_semaphore, #tpu.memory_space<semaphore_mem>>) attributes {dimension_semantics = [#tpu.dimension_semantics<core_parallel>, #tpu.dimension_semantics<subcore_parallel>], iteration_bounds = array<i64: 2, 16>, scalar_prefetch = 0 : i64, scratch_operands = 5 : i64, tpu.core_type = #tpu.core_type<sc_vector_subcore>, window_params = [{transform_indices = #map}, {transform_indices = #map}, {transform_indices = #map1}, {transform_indices = #map1}, {transform_indices = #map1}, {transform_indices = #map1}]} {
    %mul3A = arith.constant 2 : i32
    %mul3A_0 = arith.muli %arg1, %mul3A : i32
    %add3A = arith.addi %mul3A_0, %arg0 : i32
    %mul3A_1 = arith.constant 512 : i32
    %mul3A_2 = arith.muli %add3A, %mul3A_1 : i32
    %add3A_3 = arith.constant 0 : i32
    %add3A_4 = arith.addi %mul3A_2, %add3A_3 : i32
    "tpu.region"() ({
      %run_scoped3A = tpu.sem_alloc : memref<!tpu.dma_semaphore, #tpu.memory_space<semaphore_mem>>
      %dma_start3A_57 = tpu.memref_slice %arg2[%add3A_4] : memref<16384xi32, #tpu.memory_space<hbm>> -> memref<128xi32, #tpu.memory_space<hbm>>
      %dma_start3A_58 = tpu.memref_slice %arg2[%add3A_4] : memref<16384xi32, #tpu.memory_space<hbm>> -> memref<128xi32, #tpu.memory_space<hbm>>
      tpu.enqueue_dma source(%dma_start3A_58 : memref<128xi32, #tpu.memory_space<hbm>>) target(%arg8 : memref<128xi32, #tpu.memory_space<vmem>>) target_semaphore(%run_scoped3A : memref<!tpu.dma_semaphore, #tpu.memory_space<semaphore_mem>>)
      %dma_wait3A_59 = tpu.memref_slice %arg2[%add3A_4] : memref<16384xi32, #tpu.memory_space<hbm>> -> memref<128xi32, #tpu.memory_space<hbm>>
      %dma_wait3A_60 = tpu.memref_slice %arg2[%add3A_4] : memref<16384xi32, #tpu.memory_space<hbm>> -> memref<128xi32, #tpu.memory_space<hbm>>
      tpu.wait_dma2 semaphore(%run_scoped3A : memref<!tpu.dma_semaphore, #tpu.memory_space<semaphore_mem>>) src(%dma_wait3A_60 : memref<128xi32, #tpu.memory_space<hbm>>) dst(%arg8 : memref<128xi32, #tpu.memory_space<vmem>>)
      tpu.yield
    }) : () -> ()
    "tpu.region"() ({
      %run_scoped3A = tpu.sem_alloc : memref<!tpu.dma_semaphore, #tpu.memory_space<semaphore_mem>>
      %dma_start3A_57 = tpu.memref_slice %arg3[%add3A_4] : memref<16384xi32, #tpu.memory_space<hbm>> -> memref<128xi32, #tpu.memory_space<hbm>>
      %dma_start3A_58 = tpu.memref_slice %arg3[%add3A_4] : memref<16384xi32, #tpu.memory_space<hbm>> -> memref<128xi32, #tpu.memory_space<hbm>>
      tpu.enqueue_dma source(%dma_start3A_58 : memref<128xi32, #tpu.memory_space<hbm>>) target(%arg9 : memref<128xi32, #tpu.memory_space<vmem>>) target_semaphore(%run_scoped3A : memref<!tpu.dma_semaphore, #tpu.memory_space<semaphore_mem>>)
      %dma_wait3A_59 = tpu.memref_slice %arg3[%add3A_4] : memref<16384xi32, #tpu.memory_space<hbm>> -> memref<128xi32, #tpu.memory_space<hbm>>
      %dma_wait3A_60 = tpu.memref_slice %arg3[%add3A_4] : memref<16384xi32, #tpu.memory_space<hbm>> -> memref<128xi32, #tpu.memory_space<hbm>>
      tpu.wait_dma2 semaphore(%run_scoped3A : memref<!tpu.dma_semaphore, #tpu.memory_space<semaphore_mem>>) src(%dma_wait3A_60 : memref<128xi32, #tpu.memory_space<hbm>>) dst(%arg9 : memref<128xi32, #tpu.memory_space<vmem>>)
      tpu.yield
    }) : () -> ()
    %dma_start3A = arith.constant 0 : i32
    %dma_start3A_5 = arith.constant 0 : i32
    %dma_start3A_6 = tpu.memref_slice %arg4[%dma_start3A, %dma_start3A_5] : memref<100000x128xf32, #tpu.memory_space<hbm>> -> memref<100000x128xf32, #tpu.memory_space<hbm>>
    tpu.enqueue_indirect_dma source(%dma_start3A_6 : memref<100000x128xf32, #tpu.memory_space<hbm>>) target(%arg10 : memref<128x128xf32, #tpu.memory_space<vmem>>) offsets(%arg8 : memref<128xi32, #tpu.memory_space<vmem>>) semaphore(%arg12 : memref<!tpu.dma_semaphore, #tpu.memory_space<semaphore_mem>>)
    %dma_start3A_7 = arith.constant 0 : i32
    %dma_start3A_8 = arith.constant 0 : i32
    %dma_start3A_9 = tpu.memref_slice %arg5[%dma_start3A_7, %dma_start3A_8] : memref<100000x128xf32, #tpu.memory_space<hbm>> -> memref<100000x128xf32, #tpu.memory_space<hbm>>
    tpu.enqueue_indirect_dma source(%dma_start3A_9 : memref<100000x128xf32, #tpu.memory_space<hbm>>) target(%arg11 : memref<128x128xf32, #tpu.memory_space<vmem>>) offsets(%arg9 : memref<128xi32, #tpu.memory_space<vmem>>) semaphore(%arg12 : memref<!tpu.dma_semaphore, #tpu.memory_space<semaphore_mem>>)
    %dma_wait3A = arith.constant 0 : i32
    %dma_wait3A_10 = arith.constant 0 : i32
    %dma_wait3A_11 = tpu.memref_slice %arg4[%dma_wait3A, %dma_wait3A_10] : memref<100000x128xf32, #tpu.memory_space<hbm>> -> memref<100000x128xf32, #tpu.memory_space<hbm>>
    tpu.wait_indirect_dma semaphore(%arg12 : memref<!tpu.dma_semaphore, #tpu.memory_space<semaphore_mem>>) src(%dma_wait3A_11 : memref<100000x128xf32, #tpu.memory_space<hbm>>) dst(%arg10 : memref<128x128xf32, #tpu.memory_space<vmem>>)
    %dma_wait3A_12 = arith.constant 0 : i32
    %dma_wait3A_13 = arith.constant 0 : i32
    %dma_wait3A_14 = tpu.memref_slice %arg5[%dma_wait3A_12, %dma_wait3A_13] : memref<100000x128xf32, #tpu.memory_space<hbm>> -> memref<100000x128xf32, #tpu.memory_space<hbm>>
    tpu.wait_indirect_dma semaphore(%arg12 : memref<!tpu.dma_semaphore, #tpu.memory_space<semaphore_mem>>) src(%dma_wait3A_14 : memref<100000x128xf32, #tpu.memory_space<hbm>>) dst(%arg11 : memref<128x128xf32, #tpu.memory_space<vmem>>)
    "tpu.region"() ({
      %run_scoped3A = tpu.sem_alloc : memref<!tpu.dma_semaphore, #tpu.memory_space<semaphore_mem>>
      %dma_start3A_57 = arith.constant 0 : i32
      %dma_start3A_58 = tpu.memref_slice %arg6[%add3A_4, %dma_start3A_57] : memref<16384x128xf32, #tpu.memory_space<hbm>> -> memref<128x128xf32, #tpu.memory_space<hbm>>
      %dma_start3A_59 = arith.constant 0 : i32
      %dma_start3A_60 = tpu.memref_slice %arg6[%add3A_4, %dma_start3A_59] : memref<16384x128xf32, #tpu.memory_space<hbm>> -> memref<128x128xf32, #tpu.memory_space<hbm>>
      tpu.enqueue_dma source(%arg10 : memref<128x128xf32, #tpu.memory_space<vmem>>) target(%dma_start3A_60 : memref<128x128xf32, #tpu.memory_space<hbm>>) target_semaphore(%run_scoped3A : memref<!tpu.dma_semaphore, #tpu.memory_space<semaphore_mem>>)
      %dma_wait3A_61 = arith.constant 0 : i32
      %dma_wait3A_62 = tpu.memref_slice %arg6[%add3A_4, %dma_wait3A_61] : memref<16384x128xf32, #tpu.memory_space<hbm>> -> memref<128x128xf32, #tpu.memory_space<hbm>>
      %dma_wait3A_63 = arith.constant 0 : i32
      %dma_wait3A_64 = tpu.memref_slice %arg6[%add3A_4, %dma_wait3A_63] : memref<16384x128xf32, #tpu.memory_space<hbm>> -> memref<128x128xf32, #tpu.memory_space<hbm>>
      tpu.wait_dma2 semaphore(%run_scoped3A : memref<!tpu.dma_semaphore, #tpu.memory_space<semaphore_mem>>) src(%arg10 : memref<128x128xf32, #tpu.memory_space<vmem>>) dst(%dma_wait3A_64 : memref<128x128xf32, #tpu.memory_space<hbm>>)
      tpu.yield
    }) : () -> ()
    "tpu.region"() ({
      %run_scoped3A = tpu.sem_alloc : memref<!tpu.dma_semaphore, #tpu.memory_space<semaphore_mem>>
      %dma_start3A_57 = arith.constant 0 : i32
      %dma_start3A_58 = tpu.memref_slice %arg7[%add3A_4, %dma_start3A_57] : memref<16384x128xf32, #tpu.memory_space<hbm>> -> memref<128x128xf32, #tpu.memory_space<hbm>>
      %dma_start3A_59 = arith.constant 0 : i32
      %dma_start3A_60 = tpu.memref_slice %arg7[%add3A_4, %dma_start3A_59] : memref<16384x128xf32, #tpu.memory_space<hbm>> -> memref<128x128xf32, #tpu.memory_space<hbm>>
      tpu.enqueue_dma source(%arg11 : memref<128x128xf32, #tpu.memory_space<vmem>>) target(%dma_start3A_60 : memref<128x128xf32, #tpu.memory_space<hbm>>) target_semaphore(%run_scoped3A : memref<!tpu.dma_semaphore, #tpu.memory_space<semaphore_mem>>)
      %dma_wait3A_61 = arith.constant 0 : i32
      %dma_wait3A_62 = tpu.memref_slice %arg7[%add3A_4, %dma_wait3A_61] : memref<16384x128xf32, #tpu.memory_space<hbm>> -> memref<128x128xf32, #tpu.memory_space<hbm>>
      %dma_wait3A_63 = arith.constant 0 : i32
      %dma_wait3A_64 = tpu.memref_slice %arg7[%add3A_4, %dma_wait3A_63] : memref<16384x128xf32, #tpu.memory_space<hbm>> -> memref<128x128xf32, #tpu.memory_space<hbm>>
      tpu.wait_dma2 semaphore(%run_scoped3A : memref<!tpu.dma_semaphore, #tpu.memory_space<semaphore_mem>>) src(%arg11 : memref<128x128xf32, #tpu.memory_space<vmem>>) dst(%dma_wait3A_64 : memref<128x128xf32, #tpu.memory_space<hbm>>)
      tpu.yield
    }) : () -> ()
    %add3A_15 = arith.constant 128 : i32
    %add3A_16 = arith.addi %mul3A_2, %add3A_15 : i32
    "tpu.region"() ({
      %run_scoped3A = tpu.sem_alloc : memref<!tpu.dma_semaphore, #tpu.memory_space<semaphore_mem>>
      %dma_start3A_57 = tpu.memref_slice %arg2[%add3A_16] : memref<16384xi32, #tpu.memory_space<hbm>> -> memref<128xi32, #tpu.memory_space<hbm>>
      %dma_start3A_58 = tpu.memref_slice %arg2[%add3A_16] : memref<16384xi32, #tpu.memory_space<hbm>> -> memref<128xi32, #tpu.memory_space<hbm>>
      tpu.enqueue_dma source(%dma_start3A_58 : memref<128xi32, #tpu.memory_space<hbm>>) target(%arg8 : memref<128xi32, #tpu.memory_space<vmem>>) target_semaphore(%run_scoped3A : memref<!tpu.dma_semaphore, #tpu.memory_space<semaphore_mem>>)
      %dma_wait3A_59 = tpu.memref_slice %arg2[%add3A_16] : memref<16384xi32, #tpu.memory_space<hbm>> -> memref<128xi32, #tpu.memory_space<hbm>>
      %dma_wait3A_60 = tpu.memref_slice %arg2[%add3A_16] : memref<16384xi32, #tpu.memory_space<hbm>> -> memref<128xi32, #tpu.memory_space<hbm>>
      tpu.wait_dma2 semaphore(%run_scoped3A : memref<!tpu.dma_semaphore, #tpu.memory_space<semaphore_mem>>) src(%dma_wait3A_60 : memref<128xi32, #tpu.memory_space<hbm>>) dst(%arg8 : memref<128xi32, #tpu.memory_space<vmem>>)
      tpu.yield
    }) : () -> ()
    "tpu.region"() ({
      %run_scoped3A = tpu.sem_alloc : memref<!tpu.dma_semaphore, #tpu.memory_space<semaphore_mem>>
      %dma_start3A_57 = tpu.memref_slice %arg3[%add3A_16] : memref<16384xi32, #tpu.memory_space<hbm>> -> memref<128xi32, #tpu.memory_space<hbm>>
      %dma_start3A_58 = tpu.memref_slice %arg3[%add3A_16] : memref<16384xi32, #tpu.memory_space<hbm>> -> memref<128xi32, #tpu.memory_space<hbm>>
      tpu.enqueue_dma source(%dma_start3A_58 : memref<128xi32, #tpu.memory_space<hbm>>) target(%arg9 : memref<128xi32, #tpu.memory_space<vmem>>) target_semaphore(%run_scoped3A : memref<!tpu.dma_semaphore, #tpu.memory_space<semaphore_mem>>)
      %dma_wait3A_59 = tpu.memref_slice %arg3[%add3A_16] : memref<16384xi32, #tpu.memory_space<hbm>> -> memref<128xi32, #tpu.memory_space<hbm>>
      %dma_wait3A_60 = tpu.memref_slice %arg3[%add3A_16] : memref<16384xi32, #tpu.memory_space<hbm>> -> memref<128xi32, #tpu.memory_space<hbm>>
      tpu.wait_dma2 semaphore(%run_scoped3A : memref<!tpu.dma_semaphore, #tpu.memory_space<semaphore_mem>>) src(%dma_wait3A_60 : memref<128xi32, #tpu.memory_space<hbm>>) dst(%arg9 : memref<128xi32, #tpu.memory_space<vmem>>)
      tpu.yield
    }) : () -> ()
    %dma_start3A_17 = arith.constant 0 : i32
    %dma_start3A_18 = arith.constant 0 : i32
    %dma_start3A_19 = tpu.memref_slice %arg4[%dma_start3A_17, %dma_start3A_18] : memref<100000x128xf32, #tpu.memory_space<hbm>> -> memref<100000x128xf32, #tpu.memory_space<hbm>>
    tpu.enqueue_indirect_dma source(%dma_start3A_19 : memref<100000x128xf32, #tpu.memory_space<hbm>>) target(%arg10 : memref<128x128xf32, #tpu.memory_space<vmem>>) offsets(%arg8 : memref<128xi32, #tpu.memory_space<vmem>>) semaphore(%arg12 : memref<!tpu.dma_semaphore, #tpu.memory_space<semaphore_mem>>)
    %dma_start3A_20 = arith.constant 0 : i32
    %dma_start3A_21 = arith.constant 0 : i32
    %dma_start3A_22 = tpu.memref_slice %arg5[%dma_start3A_20, %dma_start3A_21] : memref<100000x128xf32, #tpu.memory_space<hbm>> -> memref<100000x128xf32, #tpu.memory_space<hbm>>
    tpu.enqueue_indirect_dma source(%dma_start3A_22 : memref<100000x128xf32, #tpu.memory_space<hbm>>) target(%arg11 : memref<128x128xf32, #tpu.memory_space<vmem>>) offsets(%arg9 : memref<128xi32, #tpu.memory_space<vmem>>) semaphore(%arg12 : memref<!tpu.dma_semaphore, #tpu.memory_space<semaphore_mem>>)
    %dma_wait3A_23 = arith.constant 0 : i32
    %dma_wait3A_24 = arith.constant 0 : i32
    %dma_wait3A_25 = tpu.memref_slice %arg4[%dma_wait3A_23, %dma_wait3A_24] : memref<100000x128xf32, #tpu.memory_space<hbm>> -> memref<100000x128xf32, #tpu.memory_space<hbm>>
    tpu.wait_indirect_dma semaphore(%arg12 : memref<!tpu.dma_semaphore, #tpu.memory_space<semaphore_mem>>) src(%dma_wait3A_25 : memref<100000x128xf32, #tpu.memory_space<hbm>>) dst(%arg10 : memref<128x128xf32, #tpu.memory_space<vmem>>)
    %dma_wait3A_26 = arith.constant 0 : i32
    %dma_wait3A_27 = arith.constant 0 : i32
    %dma_wait3A_28 = tpu.memref_slice %arg5[%dma_wait3A_26, %dma_wait3A_27] : memref<100000x128xf32, #tpu.memory_space<hbm>> -> memref<100000x128xf32, #tpu.memory_space<hbm>>
    tpu.wait_indirect_dma semaphore(%arg12 : memref<!tpu.dma_semaphore, #tpu.memory_space<semaphore_mem>>) src(%dma_wait3A_28 : memref<100000x128xf32, #tpu.memory_space<hbm>>) dst(%arg11 : memref<128x128xf32, #tpu.memory_space<vmem>>)
    "tpu.region"() ({
      %run_scoped3A = tpu.sem_alloc : memref<!tpu.dma_semaphore, #tpu.memory_space<semaphore_mem>>
      %dma_start3A_57 = arith.constant 0 : i32
      %dma_start3A_58 = tpu.memref_slice %arg6[%add3A_16, %dma_start3A_57] : memref<16384x128xf32, #tpu.memory_space<hbm>> -> memref<128x128xf32, #tpu.memory_space<hbm>>
      %dma_start3A_59 = arith.constant 0 : i32
      %dma_start3A_60 = tpu.memref_slice %arg6[%add3A_16, %dma_start3A_59] : memref<16384x128xf32, #tpu.memory_space<hbm>> -> memref<128x128xf32, #tpu.memory_space<hbm>>
      tpu.enqueue_dma source(%arg10 : memref<128x128xf32, #tpu.memory_space<vmem>>) target(%dma_start3A_60 : memref<128x128xf32, #tpu.memory_space<hbm>>) target_semaphore(%run_scoped3A : memref<!tpu.dma_semaphore, #tpu.memory_space<semaphore_mem>>)
      %dma_wait3A_61 = arith.constant 0 : i32
      %dma_wait3A_62 = tpu.memref_slice %arg6[%add3A_16, %dma_wait3A_61] : memref<16384x128xf32, #tpu.memory_space<hbm>> -> memref<128x128xf32, #tpu.memory_space<hbm>>
      %dma_wait3A_63 = arith.constant 0 : i32
      %dma_wait3A_64 = tpu.memref_slice %arg6[%add3A_16, %dma_wait3A_63] : memref<16384x128xf32, #tpu.memory_space<hbm>> -> memref<128x128xf32, #tpu.memory_space<hbm>>
      tpu.wait_dma2 semaphore(%run_scoped3A : memref<!tpu.dma_semaphore, #tpu.memory_space<semaphore_mem>>) src(%arg10 : memref<128x128xf32, #tpu.memory_space<vmem>>) dst(%dma_wait3A_64 : memref<128x128xf32, #tpu.memory_space<hbm>>)
      tpu.yield
    }) : () -> ()
    "tpu.region"() ({
      %run_scoped3A = tpu.sem_alloc : memref<!tpu.dma_semaphore, #tpu.memory_space<semaphore_mem>>
      %dma_start3A_57 = arith.constant 0 : i32
      %dma_start3A_58 = tpu.memref_slice %arg7[%add3A_16, %dma_start3A_57] : memref<16384x128xf32, #tpu.memory_space<hbm>> -> memref<128x128xf32, #tpu.memory_space<hbm>>
      %dma_start3A_59 = arith.constant 0 : i32
      %dma_start3A_60 = tpu.memref_slice %arg7[%add3A_16, %dma_start3A_59] : memref<16384x128xf32, #tpu.memory_space<hbm>> -> memref<128x128xf32, #tpu.memory_space<hbm>>
      tpu.enqueue_dma source(%arg11 : memref<128x128xf32, #tpu.memory_space<vmem>>) target(%dma_start3A_60 : memref<128x128xf32, #tpu.memory_space<hbm>>) target_semaphore(%run_scoped3A : memref<!tpu.dma_semaphore, #tpu.memory_space<semaphore_mem>>)
      %dma_wait3A_61 = arith.constant 0 : i32
      %dma_wait3A_62 = tpu.memref_slice %arg7[%add3A_16, %dma_wait3A_61] : memref<16384x128xf32, #tpu.memory_space<hbm>> -> memref<128x128xf32, #tpu.memory_space<hbm>>
      %dma_wait3A_63 = arith.constant 0 : i32
      %dma_wait3A_64 = tpu.memref_slice %arg7[%add3A_16, %dma_wait3A_63] : memref<16384x128xf32, #tpu.memory_space<hbm>> -> memref<128x128xf32, #tpu.memory_space<hbm>>
      tpu.wait_dma2 semaphore(%run_scoped3A : memref<!tpu.dma_semaphore, #tpu.memory_space<semaphore_mem>>) src(%arg11 : memref<128x128xf32, #tpu.memory_space<vmem>>) dst(%dma_wait3A_64 : memref<128x128xf32, #tpu.memory_space<hbm>>)
      tpu.yield
    }) : () -> ()
    %add3A_29 = arith.constant 256 : i32
    %add3A_30 = arith.addi %mul3A_2, %add3A_29 : i32
    "tpu.region"() ({
      %run_scoped3A = tpu.sem_alloc : memref<!tpu.dma_semaphore, #tpu.memory_space<semaphore_mem>>
      %dma_start3A_57 = tpu.memref_slice %arg2[%add3A_30] : memref<16384xi32, #tpu.memory_space<hbm>> -> memref<128xi32, #tpu.memory_space<hbm>>
      %dma_start3A_58 = tpu.memref_slice %arg2[%add3A_30] : memref<16384xi32, #tpu.memory_space<hbm>> -> memref<128xi32, #tpu.memory_space<hbm>>
      tpu.enqueue_dma source(%dma_start3A_58 : memref<128xi32, #tpu.memory_space<hbm>>) target(%arg8 : memref<128xi32, #tpu.memory_space<vmem>>) target_semaphore(%run_scoped3A : memref<!tpu.dma_semaphore, #tpu.memory_space<semaphore_mem>>)
      %dma_wait3A_59 = tpu.memref_slice %arg2[%add3A_30] : memref<16384xi32, #tpu.memory_space<hbm>> -> memref<128xi32, #tpu.memory_space<hbm>>
      %dma_wait3A_60 = tpu.memref_slice %arg2[%add3A_30] : memref<16384xi32, #tpu.memory_space<hbm>> -> memref<128xi32, #tpu.memory_space<hbm>>
      tpu.wait_dma2 semaphore(%run_scoped3A : memref<!tpu.dma_semaphore, #tpu.memory_space<semaphore_mem>>) src(%dma_wait3A_60 : memref<128xi32, #tpu.memory_space<hbm>>) dst(%arg8 : memref<128xi32, #tpu.memory_space<vmem>>)
      tpu.yield
    }) : () -> ()
    "tpu.region"() ({
      %run_scoped3A = tpu.sem_alloc : memref<!tpu.dma_semaphore, #tpu.memory_space<semaphore_mem>>
      %dma_start3A_57 = tpu.memref_slice %arg3[%add3A_30] : memref<16384xi32, #tpu.memory_space<hbm>> -> memref<128xi32, #tpu.memory_space<hbm>>
      %dma_start3A_58 = tpu.memref_slice %arg3[%add3A_30] : memref<16384xi32, #tpu.memory_space<hbm>> -> memref<128xi32, #tpu.memory_space<hbm>>
      tpu.enqueue_dma source(%dma_start3A_58 : memref<128xi32, #tpu.memory_space<hbm>>) target(%arg9 : memref<128xi32, #tpu.memory_space<vmem>>) target_semaphore(%run_scoped3A : memref<!tpu.dma_semaphore, #tpu.memory_space<semaphore_mem>>)
      %dma_wait3A_59 = tpu.memref_slice %arg3[%add3A_30] : memref<16384xi32, #tpu.memory_space<hbm>> -> memref<128xi32, #tpu.memory_space<hbm>>
      %dma_wait3A_60 = tpu.memref_slice %arg3[%add3A_30] : memref<16384xi32, #tpu.memory_space<hbm>> -> memref<128xi32, #tpu.memory_space<hbm>>
      tpu.wait_dma2 semaphore(%run_scoped3A : memref<!tpu.dma_semaphore, #tpu.memory_space<semaphore_mem>>) src(%dma_wait3A_60 : memref<128xi32, #tpu.memory_space<hbm>>) dst(%arg9 : memref<128xi32, #tpu.memory_space<vmem>>)
      tpu.yield
    }) : () -> ()
    %dma_start3A_31 = arith.constant 0 : i32
    %dma_start3A_32 = arith.constant 0 : i32
    %dma_start3A_33 = tpu.memref_slice %arg4[%dma_start3A_31, %dma_start3A_32] : memref<100000x128xf32, #tpu.memory_space<hbm>> -> memref<100000x128xf32, #tpu.memory_space<hbm>>
    tpu.enqueue_indirect_dma source(%dma_start3A_33 : memref<100000x128xf32, #tpu.memory_space<hbm>>) target(%arg10 : memref<128x128xf32, #tpu.memory_space<vmem>>) offsets(%arg8 : memref<128xi32, #tpu.memory_space<vmem>>) semaphore(%arg12 : memref<!tpu.dma_semaphore, #tpu.memory_space<semaphore_mem>>)
    %dma_start3A_34 = arith.constant 0 : i32
    %dma_start3A_35 = arith.constant 0 : i32
    %dma_start3A_36 = tpu.memref_slice %arg5[%dma_start3A_34, %dma_start3A_35] : memref<100000x128xf32, #tpu.memory_space<hbm>> -> memref<100000x128xf32, #tpu.memory_space<hbm>>
    tpu.enqueue_indirect_dma source(%dma_start3A_36 : memref<100000x128xf32, #tpu.memory_space<hbm>>) target(%arg11 : memref<128x128xf32, #tpu.memory_space<vmem>>) offsets(%arg9 : memref<128xi32, #tpu.memory_space<vmem>>) semaphore(%arg12 : memref<!tpu.dma_semaphore, #tpu.memory_space<semaphore_mem>>)
    %dma_wait3A_37 = arith.constant 0 : i32
    %dma_wait3A_38 = arith.constant 0 : i32
    %dma_wait3A_39 = tpu.memref_slice %arg4[%dma_wait3A_37, %dma_wait3A_38] : memref<100000x128xf32, #tpu.memory_space<hbm>> -> memref<100000x128xf32, #tpu.memory_space<hbm>>
    tpu.wait_indirect_dma semaphore(%arg12 : memref<!tpu.dma_semaphore, #tpu.memory_space<semaphore_mem>>) src(%dma_wait3A_39 : memref<100000x128xf32, #tpu.memory_space<hbm>>) dst(%arg10 : memref<128x128xf32, #tpu.memory_space<vmem>>)
    %dma_wait3A_40 = arith.constant 0 : i32
    %dma_wait3A_41 = arith.constant 0 : i32
    %dma_wait3A_42 = tpu.memref_slice %arg5[%dma_wait3A_40, %dma_wait3A_41] : memref<100000x128xf32, #tpu.memory_space<hbm>> -> memref<100000x128xf32, #tpu.memory_space<hbm>>
    tpu.wait_indirect_dma semaphore(%arg12 : memref<!tpu.dma_semaphore, #tpu.memory_space<semaphore_mem>>) src(%dma_wait3A_42 : memref<100000x128xf32, #tpu.memory_space<hbm>>) dst(%arg11 : memref<128x128xf32, #tpu.memory_space<vmem>>)
    "tpu.region"() ({
      %run_scoped3A = tpu.sem_alloc : memref<!tpu.dma_semaphore, #tpu.memory_space<semaphore_mem>>
      %dma_start3A_57 = arith.constant 0 : i32
      %dma_start3A_58 = tpu.memref_slice %arg6[%add3A_30, %dma_start3A_57] : memref<16384x128xf32, #tpu.memory_space<hbm>> -> memref<128x128xf32, #tpu.memory_space<hbm>>
      %dma_start3A_59 = arith.constant 0 : i32
      %dma_start3A_60 = tpu.memref_slice %arg6[%add3A_30, %dma_start3A_59] : memref<16384x128xf32, #tpu.memory_space<hbm>> -> memref<128x128xf32, #tpu.memory_space<hbm>>
      tpu.enqueue_dma source(%arg10 : memref<128x128xf32, #tpu.memory_space<vmem>>) target(%dma_start3A_60 : memref<128x128xf32, #tpu.memory_space<hbm>>) target_semaphore(%run_scoped3A : memref<!tpu.dma_semaphore, #tpu.memory_space<semaphore_mem>>)
      %dma_wait3A_61 = arith.constant 0 : i32
      %dma_wait3A_62 = tpu.memref_slice %arg6[%add3A_30, %dma_wait3A_61] : memref<16384x128xf32, #tpu.memory_space<hbm>> -> memref<128x128xf32, #tpu.memory_space<hbm>>
      %dma_wait3A_63 = arith.constant 0 : i32
      %dma_wait3A_64 = tpu.memref_slice %arg6[%add3A_30, %dma_wait3A_63] : memref<16384x128xf32, #tpu.memory_space<hbm>> -> memref<128x128xf32, #tpu.memory_space<hbm>>
      tpu.wait_dma2 semaphore(%run_scoped3A : memref<!tpu.dma_semaphore, #tpu.memory_space<semaphore_mem>>) src(%arg10 : memref<128x128xf32, #tpu.memory_space<vmem>>) dst(%dma_wait3A_64 : memref<128x128xf32, #tpu.memory_space<hbm>>)
      tpu.yield
    }) : () -> ()
    "tpu.region"() ({
      %run_scoped3A = tpu.sem_alloc : memref<!tpu.dma_semaphore, #tpu.memory_space<semaphore_mem>>
      %dma_start3A_57 = arith.constant 0 : i32
      %dma_start3A_58 = tpu.memref_slice %arg7[%add3A_30, %dma_start3A_57] : memref<16384x128xf32, #tpu.memory_space<hbm>> -> memref<128x128xf32, #tpu.memory_space<hbm>>
      %dma_start3A_59 = arith.constant 0 : i32
      %dma_start3A_60 = tpu.memref_slice %arg7[%add3A_30, %dma_start3A_59] : memref<16384x128xf32, #tpu.memory_space<hbm>> -> memref<128x128xf32, #tpu.memory_space<hbm>>
      tpu.enqueue_dma source(%arg11 : memref<128x128xf32, #tpu.memory_space<vmem>>) target(%dma_start3A_60 : memref<128x128xf32, #tpu.memory_space<hbm>>) target_semaphore(%run_scoped3A : memref<!tpu.dma_semaphore, #tpu.memory_space<semaphore_mem>>)
      %dma_wait3A_61 = arith.constant 0 : i32
      %dma_wait3A_62 = tpu.memref_slice %arg7[%add3A_30, %dma_wait3A_61] : memref<16384x128xf32, #tpu.memory_space<hbm>> -> memref<128x128xf32, #tpu.memory_space<hbm>>
      %dma_wait3A_63 = arith.constant 0 : i32
      %dma_wait3A_64 = tpu.memref_slice %arg7[%add3A_30, %dma_wait3A_63] : memref<16384x128xf32, #tpu.memory_space<hbm>> -> memref<128x128xf32, #tpu.memory_space<hbm>>
      tpu.wait_dma2 semaphore(%run_scoped3A : memref<!tpu.dma_semaphore, #tpu.memory_space<semaphore_mem>>) src(%arg11 : memref<128x128xf32, #tpu.memory_space<vmem>>) dst(%dma_wait3A_64 : memref<128x128xf32, #tpu.memory_space<hbm>>)
      tpu.yield
    }) : () -> ()
    %add3A_43 = arith.constant 384 : i32
    %add3A_44 = arith.addi %mul3A_2, %add3A_43 : i32
    "tpu.region"() ({
      %run_scoped3A = tpu.sem_alloc : memref<!tpu.dma_semaphore, #tpu.memory_space<semaphore_mem>>
      %dma_start3A_57 = tpu.memref_slice %arg2[%add3A_44] : memref<16384xi32, #tpu.memory_space<hbm>> -> memref<128xi32, #tpu.memory_space<hbm>>
      %dma_start3A_58 = tpu.memref_slice %arg2[%add3A_44] : memref<16384xi32, #tpu.memory_space<hbm>> -> memref<128xi32, #tpu.memory_space<hbm>>
      tpu.enqueue_dma source(%dma_start3A_58 : memref<128xi32, #tpu.memory_space<hbm>>) target(%arg8 : memref<128xi32, #tpu.memory_space<vmem>>) target_semaphore(%run_scoped3A : memref<!tpu.dma_semaphore, #tpu.memory_space<semaphore_mem>>)
      %dma_wait3A_59 = tpu.memref_slice %arg2[%add3A_44] : memref<16384xi32, #tpu.memory_space<hbm>> -> memref<128xi32, #tpu.memory_space<hbm>>
      %dma_wait3A_60 = tpu.memref_slice %arg2[%add3A_44] : memref<16384xi32, #tpu.memory_space<hbm>> -> memref<128xi32, #tpu.memory_space<hbm>>
      tpu.wait_dma2 semaphore(%run_scoped3A : memref<!tpu.dma_semaphore, #tpu.memory_space<semaphore_mem>>) src(%dma_wait3A_60 : memref<128xi32, #tpu.memory_space<hbm>>) dst(%arg8 : memref<128xi32, #tpu.memory_space<vmem>>)
      tpu.yield
    }) : () -> ()
    "tpu.region"() ({
      %run_scoped3A = tpu.sem_alloc : memref<!tpu.dma_semaphore, #tpu.memory_space<semaphore_mem>>
      %dma_start3A_57 = tpu.memref_slice %arg3[%add3A_44] : memref<16384xi32, #tpu.memory_space<hbm>> -> memref<128xi32, #tpu.memory_space<hbm>>
      %dma_start3A_58 = tpu.memref_slice %arg3[%add3A_44] : memref<16384xi32, #tpu.memory_space<hbm>> -> memref<128xi32, #tpu.memory_space<hbm>>
      tpu.enqueue_dma source(%dma_start3A_58 : memref<128xi32, #tpu.memory_space<hbm>>) target(%arg9 : memref<128xi32, #tpu.memory_space<vmem>>) target_semaphore(%run_scoped3A : memref<!tpu.dma_semaphore, #tpu.memory_space<semaphore_mem>>)
      %dma_wait3A_59 = tpu.memref_slice %arg3[%add3A_44] : memref<16384xi32, #tpu.memory_space<hbm>> -> memref<128xi32, #tpu.memory_space<hbm>>
      %dma_wait3A_60 = tpu.memref_slice %arg3[%add3A_44] : memref<16384xi32, #tpu.memory_space<hbm>> -> memref<128xi32, #tpu.memory_space<hbm>>
      tpu.wait_dma2 semaphore(%run_scoped3A : memref<!tpu.dma_semaphore, #tpu.memory_space<semaphore_mem>>) src(%dma_wait3A_60 : memref<128xi32, #tpu.memory_space<hbm>>) dst(%arg9 : memref<128xi32, #tpu.memory_space<vmem>>)
      tpu.yield
    }) : () -> ()
    %dma_start3A_45 = arith.constant 0 : i32
    %dma_start3A_46 = arith.constant 0 : i32
    %dma_start3A_47 = tpu.memref_slice %arg4[%dma_start3A_45, %dma_start3A_46] : memref<100000x128xf32, #tpu.memory_space<hbm>> -> memref<100000x128xf32, #tpu.memory_space<hbm>>
    tpu.enqueue_indirect_dma source(%dma_start3A_47 : memref<100000x128xf32, #tpu.memory_space<hbm>>) target(%arg10 : memref<128x128xf32, #tpu.memory_space<vmem>>) offsets(%arg8 : memref<128xi32, #tpu.memory_space<vmem>>) semaphore(%arg12 : memref<!tpu.dma_semaphore, #tpu.memory_space<semaphore_mem>>)
    %dma_start3A_48 = arith.constant 0 : i32
    %dma_start3A_49 = arith.constant 0 : i32
    %dma_start3A_50 = tpu.memref_slice %arg5[%dma_start3A_48, %dma_start3A_49] : memref<100000x128xf32, #tpu.memory_space<hbm>> -> memref<100000x128xf32, #tpu.memory_space<hbm>>
    tpu.enqueue_indirect_dma source(%dma_start3A_50 : memref<100000x128xf32, #tpu.memory_space<hbm>>) target(%arg11 : memref<128x128xf32, #tpu.memory_space<vmem>>) offsets(%arg9 : memref<128xi32, #tpu.memory_space<vmem>>) semaphore(%arg12 : memref<!tpu.dma_semaphore, #tpu.memory_space<semaphore_mem>>)
    %dma_wait3A_51 = arith.constant 0 : i32
    %dma_wait3A_52 = arith.constant 0 : i32
    %dma_wait3A_53 = tpu.memref_slice %arg4[%dma_wait3A_51, %dma_wait3A_52] : memref<100000x128xf32, #tpu.memory_space<hbm>> -> memref<100000x128xf32, #tpu.memory_space<hbm>>
    tpu.wait_indirect_dma semaphore(%arg12 : memref<!tpu.dma_semaphore, #tpu.memory_space<semaphore_mem>>) src(%dma_wait3A_53 : memref<100000x128xf32, #tpu.memory_space<hbm>>) dst(%arg10 : memref<128x128xf32, #tpu.memory_space<vmem>>)
    %dma_wait3A_54 = arith.constant 0 : i32
    %dma_wait3A_55 = arith.constant 0 : i32
    %dma_wait3A_56 = tpu.memref_slice %arg5[%dma_wait3A_54, %dma_wait3A_55] : memref<100000x128xf32, #tpu.memory_space<hbm>> -> memref<100000x128xf32, #tpu.memory_space<hbm>>
    tpu.wait_indirect_dma semaphore(%arg12 : memref<!tpu.dma_semaphore, #tpu.memory_space<semaphore_mem>>) src(%dma_wait3A_56 : memref<100000x128xf32, #tpu.memory_space<hbm>>) dst(%arg11 : memref<128x128xf32, #tpu.memory_space<vmem>>)
    "tpu.region"() ({
      %run_scoped3A = tpu.sem_alloc : memref<!tpu.dma_semaphore, #tpu.memory_space<semaphore_mem>>
      %dma_start3A_57 = arith.constant 0 : i32
      %dma_start3A_58 = tpu.memref_slice %arg6[%add3A_44, %dma_start3A_57] : memref<16384x128xf32, #tpu.memory_space<hbm>> -> memref<128x128xf32, #tpu.memory_space<hbm>>
      %dma_start3A_59 = arith.constant 0 : i32
      %dma_start3A_60 = tpu.memref_slice %arg6[%add3A_44, %dma_start3A_59] : memref<16384x128xf32, #tpu.memory_space<hbm>> -> memref<128x128xf32, #tpu.memory_space<hbm>>
      tpu.enqueue_dma source(%arg10 : memref<128x128xf32, #tpu.memory_space<vmem>>) target(%dma_start3A_60 : memref<128x128xf32, #tpu.memory_space<hbm>>) target_semaphore(%run_scoped3A : memref<!tpu.dma_semaphore, #tpu.memory_space<semaphore_mem>>)
      %dma_wait3A_61 = arith.constant 0 : i32
      %dma_wait3A_62 = tpu.memref_slice %arg6[%add3A_44, %dma_wait3A_61] : memref<16384x128xf32, #tpu.memory_space<hbm>> -> memref<128x128xf32, #tpu.memory_space<hbm>>
      %dma_wait3A_63 = arith.constant 0 : i32
      %dma_wait3A_64 = tpu.memref_slice %arg6[%add3A_44, %dma_wait3A_63] : memref<16384x128xf32, #tpu.memory_space<hbm>> -> memref<128x128xf32, #tpu.memory_space<hbm>>
      tpu.wait_dma2 semaphore(%run_scoped3A : memref<!tpu.dma_semaphore, #tpu.memory_space<semaphore_mem>>) src(%arg10 : memref<128x128xf32, #tpu.memory_space<vmem>>) dst(%dma_wait3A_64 : memref<128x128xf32, #tpu.memory_space<hbm>>)
      tpu.yield
    }) : () -> ()
    "tpu.region"() ({
      %run_scoped3A = tpu.sem_alloc : memref<!tpu.dma_semaphore, #tpu.memory_space<semaphore_mem>>
      %dma_start3A_57 = arith.constant 0 : i32
      %dma_start3A_58 = tpu.memref_slice %arg7[%add3A_44, %dma_start3A_57] : memref<16384x128xf32, #tpu.memory_space<hbm>> -> memref<128x128xf32, #tpu.memory_space<hbm>>
      %dma_start3A_59 = arith.constant 0 : i32
      %dma_start3A_60 = tpu.memref_slice %arg7[%add3A_44, %dma_start3A_59] : memref<16384x128xf32, #tpu.memory_space<hbm>> -> memref<128x128xf32, #tpu.memory_space<hbm>>
      tpu.enqueue_dma source(%arg11 : memref<128x128xf32, #tpu.memory_space<vmem>>) target(%dma_start3A_60 : memref<128x128xf32, #tpu.memory_space<hbm>>) target_semaphore(%run_scoped3A : memref<!tpu.dma_semaphore, #tpu.memory_space<semaphore_mem>>)
      %dma_wait3A_61 = arith.constant 0 : i32
      %dma_wait3A_62 = tpu.memref_slice %arg7[%add3A_44, %dma_wait3A_61] : memref<16384x128xf32, #tpu.memory_space<hbm>> -> memref<128x128xf32, #tpu.memory_space<hbm>>
      %dma_wait3A_63 = arith.constant 0 : i32
      %dma_wait3A_64 = tpu.memref_slice %arg7[%add3A_44, %dma_wait3A_63] : memref<16384x128xf32, #tpu.memory_space<hbm>> -> memref<128x128xf32, #tpu.memory_space<hbm>>
      tpu.wait_dma2 semaphore(%run_scoped3A : memref<!tpu.dma_semaphore, #tpu.memory_space<semaphore_mem>>) src(%arg11 : memref<128x128xf32, #tpu.memory_space<vmem>>) dst(%dma_wait3A_64 : memref<128x128xf32, #tpu.memory_space<hbm>>)
      tpu.yield
    }) : () -> ()
    return
  }
}

module attributes {stable_mosaic.version = 14 : i64} {
  func.func @body(%arg0: i32, %arg1: memref<64x4096xf32, #tpu.memory_space<vmem>>, %arg2: memref<64x4096xf32, #tpu.memory_space<vmem>>, %arg3: memref<64x4096xf32, #tpu.memory_space<vmem>>, %arg4: memref<1x4096xf32, #tpu.memory_space<vmem>>, %arg5: memref<64x64xf32, #tpu.memory_space<vmem>>, %arg6: memref<4096x128xi32, #tpu.memory_space<vmem>>) attributes {dimension_semantics = [#tpu.dimension_semantics<parallel>], iteration_bounds = array<i64: 25>, scalar_prefetch = 0 : i64, scratch_operands = 0 : i64, tpu.core_type = #tpu.core_type<tc>, window_params = [{transform_indices = @transform_0, window_bounds = array<i64: 64, 4096>}, {transform_indices = @transform_1, window_bounds = array<i64: 64, 4096>}, {transform_indices = @transform_2, window_bounds = array<i64: 64, 4096>}, {transform_indices = @transform_3, window_bounds = array<i64: 1, 4096>}, {pipeline_mode = #tpu.pipeline_mode<synchronous>, transform_indices = @transform_4, window_bounds = array<i64: 64, 64>}, {transform_indices = @transform_5, window_bounds = array<i64: 4096, 128>}]} {
    %get3A = arith.constant 0 : index
    %get3A_0 = arith.constant 0 : index
    %get3A_1 = vector.load %arg1[%get3A, %get3A_0] : memref<64x4096xf32, #tpu.memory_space<vmem>>, vector<64x4096xf32>
    %get3A_2 = arith.constant 0 : index
    %get3A_3 = arith.constant 0 : index
    %get3A_4 = vector.load %arg5[%get3A_2, %get3A_3] : memref<64x64xf32, #tpu.memory_space<vmem>>, vector<64x64xf32>
    %dot_general3A = arith.constant dense<0.000000e+00> : vector<4096x64xf32>
    %dot_general3A_5 = tpu.matmul %get3A_1, %get3A_4, %dot_general3A {dimension_numbers = #tpu.dot_dimension_numbers<[0], [0], [1], [1], [0, 1, 1, 1], [], []>, transpose_lhs_hint = false} : vector<64x4096xf32>, vector<64x64xf32>, vector<4096x64xf32> -> vector<4096x64xf32>
    %bitcast_convert_type3A = tpu.bitcast %dot_general3A_5 : vector<4096x64xf32> -> vector<4096x64xi32>
    %add3A = arith.constant 32767 : i32
    %add3A_6 = vector.broadcast %add3A : i32 to vector<4096x64xi32>
    %add3A_7 = arith.addi %bitcast_convert_type3A, %add3A_6 : vector<4096x64xi32>
    %shift_right_logical3A = arith.constant 16 : i32
    %shift_right_logical3A_8 = vector.broadcast %shift_right_logical3A : i32 to vector<4096x64xi32>
    %shift_right_logical3A_9 = arith.shrui %bitcast_convert_type3A, %shift_right_logical3A_8 : vector<4096x64xi32>
    %and3A = arith.constant 1 : i32
    %and3A_10 = vector.broadcast %and3A : i32 to vector<4096x64xi32>
    %and3A_11 = arith.andi %shift_right_logical3A_9, %and3A_10 : vector<4096x64xi32>
    %add3A_12 = arith.addi %add3A_7, %and3A_11 : vector<4096x64xi32>
    %shift_right_logical3A_13 = arith.constant 16 : i32
    %shift_right_logical3A_14 = vector.broadcast %shift_right_logical3A_13 : i32 to vector<4096x64xi32>
    %shift_right_logical3A_15 = arith.shrui %add3A_12, %shift_right_logical3A_14 : vector<4096x64xi32>
    %get3A_16 = arith.constant 0 : index
    %get3A_17 = arith.constant 0 : index
    %get3A_18 = vector.load %arg2[%get3A_16, %get3A_17] : memref<64x4096xf32, #tpu.memory_space<vmem>>, vector<64x4096xf32>
    %get3A_19 = arith.constant 0 : index
    %get3A_20 = arith.constant 0 : index
    %get3A_21 = vector.load %arg5[%get3A_19, %get3A_20] : memref<64x64xf32, #tpu.memory_space<vmem>>, vector<64x64xf32>
    %dot_general3A_22 = arith.constant dense<0.000000e+00> : vector<4096x64xf32>
    %dot_general3A_23 = tpu.matmul %get3A_18, %get3A_21, %dot_general3A_22 {dimension_numbers = #tpu.dot_dimension_numbers<[0], [0], [1], [1], [0, 1, 1, 1], [], []>, transpose_lhs_hint = false} : vector<64x4096xf32>, vector<64x64xf32>, vector<4096x64xf32> -> vector<4096x64xf32>
    %bitcast_convert_type3A_24 = tpu.bitcast %dot_general3A_23 : vector<4096x64xf32> -> vector<4096x64xi32>
    %add3A_25 = arith.constant 32767 : i32
    %add3A_26 = vector.broadcast %add3A_25 : i32 to vector<4096x64xi32>
    %add3A_27 = arith.addi %bitcast_convert_type3A_24, %add3A_26 : vector<4096x64xi32>
    %shift_right_logical3A_28 = arith.constant 16 : i32
    %shift_right_logical3A_29 = vector.broadcast %shift_right_logical3A_28 : i32 to vector<4096x64xi32>
    %shift_right_logical3A_30 = arith.shrui %bitcast_convert_type3A_24, %shift_right_logical3A_29 : vector<4096x64xi32>
    %and3A_31 = arith.constant 1 : i32
    %and3A_32 = vector.broadcast %and3A_31 : i32 to vector<4096x64xi32>
    %and3A_33 = arith.andi %shift_right_logical3A_30, %and3A_32 : vector<4096x64xi32>
    %add3A_34 = arith.addi %add3A_27, %and3A_33 : vector<4096x64xi32>
    %shift_right_logical3A_35 = arith.constant 16 : i32
    %shift_right_logical3A_36 = vector.broadcast %shift_right_logical3A_35 : i32 to vector<4096x64xi32>
    %shift_right_logical3A_37 = arith.shrui %add3A_34, %shift_right_logical3A_36 : vector<4096x64xi32>
    %get3A_38 = arith.constant 0 : index
    %get3A_39 = arith.constant 0 : index
    %get3A_40 = vector.load %arg3[%get3A_38, %get3A_39] : memref<64x4096xf32, #tpu.memory_space<vmem>>, vector<64x4096xf32>
    %get3A_41 = arith.constant 0 : index
    %get3A_42 = arith.constant 0 : index
    %get3A_43 = vector.load %arg5[%get3A_41, %get3A_42] : memref<64x64xf32, #tpu.memory_space<vmem>>, vector<64x64xf32>
    %dot_general3A_44 = arith.constant dense<0.000000e+00> : vector<4096x64xf32>
    %dot_general3A_45 = tpu.matmul %get3A_40, %get3A_43, %dot_general3A_44 {dimension_numbers = #tpu.dot_dimension_numbers<[0], [0], [1], [1], [0, 1, 1, 1], [], []>, transpose_lhs_hint = false} : vector<64x4096xf32>, vector<64x64xf32>, vector<4096x64xf32> -> vector<4096x64xf32>
    %bitcast_convert_type3A_46 = tpu.bitcast %dot_general3A_45 : vector<4096x64xf32> -> vector<4096x64xi32>
    %add3A_47 = arith.constant 32767 : i32
    %add3A_48 = vector.broadcast %add3A_47 : i32 to vector<4096x64xi32>
    %add3A_49 = arith.addi %bitcast_convert_type3A_46, %add3A_48 : vector<4096x64xi32>
    %shift_right_logical3A_50 = arith.constant 16 : i32
    %shift_right_logical3A_51 = vector.broadcast %shift_right_logical3A_50 : i32 to vector<4096x64xi32>
    %shift_right_logical3A_52 = arith.shrui %bitcast_convert_type3A_46, %shift_right_logical3A_51 : vector<4096x64xi32>
    %and3A_53 = arith.constant 1 : i32
    %and3A_54 = vector.broadcast %and3A_53 : i32 to vector<4096x64xi32>
    %and3A_55 = arith.andi %shift_right_logical3A_52, %and3A_54 : vector<4096x64xi32>
    %add3A_56 = arith.addi %add3A_49, %and3A_55 : vector<4096x64xi32>
    %shift_right_logical3A_57 = arith.constant 16 : i32
    %shift_right_logical3A_58 = vector.broadcast %shift_right_logical3A_57 : i32 to vector<4096x64xi32>
    %shift_right_logical3A_59 = arith.shrui %add3A_56, %shift_right_logical3A_58 : vector<4096x64xi32>
    %get3A_60 = arith.constant 0 : index
    %get3A_61 = arith.constant 0 : index
    %get3A_62 = vector.load %arg4[%get3A_60, %get3A_61] : memref<1x4096xf32, #tpu.memory_space<vmem>>, vector<1x4096xf32>
    %get3A_63 = vector.shape_cast %get3A_62 : vector<1x4096xf32> to vector<4096xf32>
    %reshape3A = vector.shape_cast %get3A_63 : vector<4096xf32> to vector<4096x1xf32>
    %broadcast_in_dim3A = vector.shape_cast %reshape3A : vector<4096x1xf32> to vector<4096x1xf32>
    %broadcast_in_dim3A_64 = vector.broadcast %broadcast_in_dim3A : vector<4096x1xf32> to vector<4096x64xf32>
    %bitcast_convert_type3A_65 = tpu.bitcast %broadcast_in_dim3A_64 : vector<4096x64xf32> -> vector<4096x64xi32>
    %add3A_66 = arith.constant 32767 : i32
    %add3A_67 = vector.broadcast %add3A_66 : i32 to vector<4096x64xi32>
    %add3A_68 = arith.addi %bitcast_convert_type3A_65, %add3A_67 : vector<4096x64xi32>
    %shift_right_logical3A_69 = arith.constant 16 : i32
    %shift_right_logical3A_70 = vector.broadcast %shift_right_logical3A_69 : i32 to vector<4096x64xi32>
    %shift_right_logical3A_71 = arith.shrui %bitcast_convert_type3A_65, %shift_right_logical3A_70 : vector<4096x64xi32>
    %and3A_72 = arith.constant 1 : i32
    %and3A_73 = vector.broadcast %and3A_72 : i32 to vector<4096x64xi32>
    %and3A_74 = arith.andi %shift_right_logical3A_71, %and3A_73 : vector<4096x64xi32>
    %add3A_75 = arith.addi %add3A_68, %and3A_74 : vector<4096x64xi32>
    %shift_right_logical3A_76 = arith.constant 16 : i32
    %shift_right_logical3A_77 = vector.broadcast %shift_right_logical3A_76 : i32 to vector<4096x64xi32>
    %shift_right_logical3A_78 = arith.shrui %add3A_75, %shift_right_logical3A_77 : vector<4096x64xi32>
    %shift_left3A = arith.constant 16 : i32
    %shift_left3A_79 = vector.broadcast %shift_left3A : i32 to vector<4096x64xi32>
    %shift_left3A_80 = arith.shli %shift_right_logical3A_37, %shift_left3A_79 : vector<4096x64xi32>
    %or3A = arith.ori %shift_right_logical3A_15, %shift_left3A_80 : vector<4096x64xi32>
    %swap3A = arith.constant 0 : index
    %swap3A_81 = arith.constant 0 : index
    %swap3A_82 = vector.load %arg6[%swap3A, %swap3A_81] : memref<4096x128xi32, #tpu.memory_space<vmem>>, vector<4096x64xi32>
    tpu.vector_store %arg6[%swap3A, %swap3A_81], %or3A {strides = array<i32>} : memref<4096x128xi32, #tpu.memory_space<vmem>>, vector<4096x64xi32>,
    %shift_left3A_83 = arith.constant 16 : i32
    %shift_left3A_84 = vector.broadcast %shift_left3A_83 : i32 to vector<4096x64xi32>
    %shift_left3A_85 = arith.shli %shift_right_logical3A_78, %shift_left3A_84 : vector<4096x64xi32>
    %or3A_86 = arith.ori %shift_right_logical3A_59, %shift_left3A_85 : vector<4096x64xi32>
    %swap3A_87 = arith.constant 0 : index
    %swap3A_88 = arith.constant 64 : index
    %swap3A_89 = vector.load %arg6[%swap3A_87, %swap3A_88] : memref<4096x128xi32, #tpu.memory_space<vmem>>, vector<4096x64xi32>
    tpu.vector_store %arg6[%swap3A_87, %swap3A_88], %or3A_86 {strides = array<i32>} : memref<4096x128xi32, #tpu.memory_space<vmem>>, vector<4096x64xi32>,
    return
  }
  func.func @transform_0(%arg0: i32) -> (i32, i32) {
    %c0_i32 = arith.constant 0 : i32
    %c0_i32_0 = arith.constant 0 : i32
    return %c0_i32, %arg0 : i32, i32
  }
  func.func @transform_1(%arg0: i32) -> (i32, i32) {
    %c0_i32 = arith.constant 0 : i32
    %c0_i32_0 = arith.constant 0 : i32
    return %c0_i32, %arg0 : i32, i32
  }
  func.func @transform_2(%arg0: i32) -> (i32, i32) {
    %c0_i32 = arith.constant 0 : i32
    %c0_i32_0 = arith.constant 0 : i32
    return %c0_i32, %arg0 : i32, i32
  }
  func.func @transform_3(%arg0: i32) -> (i32, i32) {
    %c0_i32 = arith.constant 0 : i32
    %c0_i32_0 = arith.constant 0 : i32
    return %c0_i32, %arg0 : i32, i32
  }
  func.func @transform_4(%arg0: i32) -> (i32, i32) {
    %c0_i32 = arith.constant 0 : i32
    %c0_i32_0 = arith.constant 0 : i32
    %c0_i32_1 = arith.constant 0 : i32
    return %c0_i32, %c0_i32_0 : i32, i32
  }
  func.func @transform_5(%arg0: i32) -> (i32, i32) {
    %c0_i32 = arith.constant 0 : i32
    %c0_i32_0 = arith.constant 0 : i32
    return %arg0, %c0_i32 : i32, i32
  }
}

module attributes {stable_mosaic.version = 14 : i64} {
  func.func @body(%arg0: i32, %arg1: memref<1024x128xi32, #tpu.memory_space<vmem>>, %arg2: memref<1024x128xi32, #tpu.memory_space<vmem>>, %arg3: memref<1024x128xi32, #tpu.memory_space<vmem>>, %arg4: memref<1024x128xf32, #tpu.memory_space<vmem>>, %arg5: memref<1024x128xf32, #tpu.memory_space<vmem>>, %arg6: memref<64x128xf32, #tpu.memory_space<vmem>>, %arg7: memref<1x128xf32, #tpu.memory_space<vmem>>, %arg8: memref<1x1x1024xf32, #tpu.memory_space<vmem>>) attributes {dimension_semantics = [#tpu.dimension_semantics<parallel>], iteration_bounds = array<i64: 16>, scalar_prefetch = 0 : i64, scratch_operands = 0 : i64, tpu.core_type = #tpu.core_type<tc>, window_params = [{transform_indices = @transform_0, window_bounds = array<i64: 1024, 128>}, {transform_indices = @transform_1, window_bounds = array<i64: 1024, 128>}, {transform_indices = @transform_2, window_bounds = array<i64: 1024, 128>}, {transform_indices = @transform_3, window_bounds = array<i64: 1024, 128>}, {transform_indices = @transform_4, window_bounds = array<i64: 1024, 128>}, {pipeline_mode = #tpu.pipeline_mode<synchronous>, transform_indices = @transform_5, window_bounds = array<i64: 64, 128>}, {pipeline_mode = #tpu.pipeline_mode<synchronous>, transform_indices = @transform_6, window_bounds = array<i64: 1, 128>}, {transform_indices = @transform_7, window_bounds = array<i64: 1, 1, 1024>}]} {
    %get3A = arith.constant 0 : index
    %get3A_0 = arith.constant 0 : index
    %get3A_1 = vector.load %arg1[%get3A, %get3A_0] : memref<1024x128xi32, #tpu.memory_space<vmem>>, vector<1024x64xi32>
    %shift_left3A = arith.constant 16 : i32
    %shift_left3A_2 = vector.broadcast %shift_left3A : i32 to vector<1024x64xi32>
    %shift_left3A_3 = arith.shli %get3A_1, %shift_left3A_2 : vector<1024x64xi32>
    %bitcast_convert_type3A = tpu.bitcast %shift_left3A_3 : vector<1024x64xi32> -> vector<1024x64xf32>
    %and3A = arith.constant -65536 : i32
    %and3A_4 = vector.broadcast %and3A : i32 to vector<1024x64xi32>
    %and3A_5 = arith.andi %get3A_1, %and3A_4 : vector<1024x64xi32>
    %bitcast_convert_type3A_6 = tpu.bitcast %and3A_5 : vector<1024x64xi32> -> vector<1024x64xf32>
    %get3A_7 = arith.constant 0 : index
    %get3A_8 = arith.constant 64 : index
    %get3A_9 = vector.load %arg2[%get3A_7, %get3A_8] : memref<1024x128xi32, #tpu.memory_space<vmem>>, vector<1024x64xi32>
    %get3A_10 = arith.constant 0 : index
    %get3A_11 = arith.constant 64 : index
    %get3A_12 = vector.load %arg3[%get3A_10, %get3A_11] : memref<1024x128xi32, #tpu.memory_space<vmem>>, vector<1024x64xi32>
    %shift_left3A_13 = arith.constant 16 : i32
    %shift_left3A_14 = vector.broadcast %shift_left3A_13 : i32 to vector<1024x64xi32>
    %shift_left3A_15 = arith.shli %get3A_9, %shift_left3A_14 : vector<1024x64xi32>
    %bitcast_convert_type3A_16 = tpu.bitcast %shift_left3A_15 : vector<1024x64xi32> -> vector<1024x64xf32>
    %shift_left3A_17 = arith.constant 16 : i32
    %shift_left3A_18 = vector.broadcast %shift_left3A_17 : i32 to vector<1024x64xi32>
    %shift_left3A_19 = arith.shli %get3A_12, %shift_left3A_18 : vector<1024x64xi32>
    %bitcast_convert_type3A_20 = tpu.bitcast %shift_left3A_19 : vector<1024x64xi32> -> vector<1024x64xf32>
    %sub3A = arith.subf %bitcast_convert_type3A_16, %bitcast_convert_type3A_20 : vector<1024x64xf32>
    %slice3A = vector.extract_strided_slice %get3A_9 {offsets = [0, 0], sizes = [1024, 1], strides = [1, 1]} : vector<1024x64xi32> to vector<1024x1xi32>
    %squeeze3A = vector.shape_cast %slice3A : vector<1024x1xi32> to vector<1024xi32>
    %and3A_21 = arith.constant -65536 : i32
    %and3A_22 = vector.broadcast %and3A_21 : i32 to vector<1024xi32>
    %and3A_23 = arith.andi %squeeze3A, %and3A_22 : vector<1024xi32>
    %bitcast_convert_type3A_24 = tpu.bitcast %and3A_23 : vector<1024xi32> -> vector<1024xf32>
    %slice3A_25 = vector.extract_strided_slice %get3A_12 {offsets = [0, 0], sizes = [1024, 1], strides = [1, 1]} : vector<1024x64xi32> to vector<1024x1xi32>
    %squeeze3A_26 = vector.shape_cast %slice3A_25 : vector<1024x1xi32> to vector<1024xi32>
    %and3A_27 = arith.constant -65536 : i32
    %and3A_28 = vector.broadcast %and3A_27 : i32 to vector<1024xi32>
    %and3A_29 = arith.andi %squeeze3A_26, %and3A_28 : vector<1024xi32>
    %bitcast_convert_type3A_30 = tpu.bitcast %and3A_29 : vector<1024xi32> -> vector<1024xf32>
    %sub3A_31 = arith.subf %bitcast_convert_type3A_24, %bitcast_convert_type3A_30 : vector<1024xf32>
    %get3A_32 = arith.constant 0 : index
    %get3A_33 = arith.constant 0 : index
    %get3A_34 = vector.load %arg4[%get3A_32, %get3A_33] : memref<1024x128xf32, #tpu.memory_space<vmem>>, vector<1024x128xf32>
    %get3A_35 = arith.constant 0 : index
    %get3A_36 = arith.constant 0 : index
    %get3A_37 = vector.load %arg5[%get3A_35, %get3A_36] : memref<1024x128xf32, #tpu.memory_space<vmem>>, vector<1024x128xf32>
    %sub3A_38 = arith.subf %get3A_34, %get3A_37 : vector<1024x128xf32>
    %get3A_39 = arith.constant 0 : index
    %get3A_40 = arith.constant 0 : index
    %get3A_41 = vector.load %arg6[%get3A_39, %get3A_40] : memref<64x128xf32, #tpu.memory_space<vmem>>, vector<64x128xf32>
    %dot_general3A = arith.constant dense<0.000000e+00> : vector<1024x64xf32>
    %dot_general3A_42 = tpu.matmul %sub3A_38, %get3A_41, %dot_general3A {dimension_numbers = #tpu.dot_dimension_numbers<[1], [1], [0], [0], [0, 0, 1, 0], [], []>, transpose_lhs_hint = false} : vector<1024x128xf32>, vector<64x128xf32>, vector<1024x64xf32> -> vector<1024x64xf32>
    %mul3A = arith.mulf %bitcast_convert_type3A, %sub3A : vector<1024x64xf32>
    %reduce_sum3A = arith.constant dense<0.000000e+00> : vector<1024xf32>
    %reduce_sum3A_43 = vector.multi_reduction <add>, %mul3A, %reduce_sum3A [1] : vector<1024x64xf32> to vector<1024xf32>
    %mul3A_44 = arith.mulf %bitcast_convert_type3A_6, %dot_general3A_42 : vector<1024x64xf32>
    %reduce_sum3A_45 = arith.constant dense<0.000000e+00> : vector<1024xf32>
    %reduce_sum3A_46 = vector.multi_reduction <add>, %mul3A_44, %reduce_sum3A_45 [1] : vector<1024x64xf32> to vector<1024xf32>
    %get3A_47 = arith.constant 0 : index
    %get3A_48 = arith.constant 0 : index
    %get3A_49 = vector.load %arg7[%get3A_47, %get3A_48] : memref<1x128xf32, #tpu.memory_space<vmem>>, vector<1x128xf32>
    %mul3A_50 = vector.broadcast %get3A_49 : vector<1x128xf32> to vector<1024x128xf32>
    %mul3A_51 = arith.mulf %sub3A_38, %mul3A_50 : vector<1024x128xf32>
    %reduce_sum3A_52 = arith.constant dense<0.000000e+00> : vector<1024xf32>
    %reduce_sum3A_53 = vector.multi_reduction <add>, %mul3A_51, %reduce_sum3A_52 [1] : vector<1024x128xf32> to vector<1024xf32>
    %add3A = arith.addf %sub3A_31, %reduce_sum3A_43 : vector<1024xf32>
    %add3A_54 = arith.addf %add3A, %reduce_sum3A_46 : vector<1024xf32>
    %add3A_55 = arith.addf %add3A_54, %reduce_sum3A_53 : vector<1024xf32>
    %swap3A = arith.constant 0 : index
    %swap3A_56 = arith.constant 0 : index
    %swap3A_57 = arith.constant 0 : index
    %swap3A_58 = vector.load %arg8[%swap3A, %swap3A_56, %swap3A_57] : memref<1x1x1024xf32, #tpu.memory_space<vmem>>, vector<1x1x1024xf32>
    %swap3A_59 = vector.shape_cast %swap3A_58 : vector<1x1x1024xf32> to vector<1024xf32>
    %swap3A_60 = vector.shape_cast %add3A_55 : vector<1024xf32> to vector<1x1x1024xf32>
    tpu.vector_store %arg8[%swap3A, %swap3A_56, %swap3A_57], %swap3A_60 {strides = array<i32>} : memref<1x1x1024xf32, #tpu.memory_space<vmem>>, vector<1x1x1024xf32>,
    return
  }
  func.func @transform_0(%arg0: i32) -> (i32, i32) {
    %c0_i32 = arith.constant 0 : i32
    %c0_i32_0 = arith.constant 0 : i32
    return %arg0, %c0_i32 : i32, i32
  }
  func.func @transform_1(%arg0: i32) -> (i32, i32) {
    %c0_i32 = arith.constant 0 : i32
    %c0_i32_0 = arith.constant 0 : i32
    return %arg0, %c0_i32 : i32, i32
  }
  func.func @transform_2(%arg0: i32) -> (i32, i32) {
    %c0_i32 = arith.constant 0 : i32
    %c0_i32_0 = arith.constant 0 : i32
    return %arg0, %c0_i32 : i32, i32
  }
  func.func @transform_3(%arg0: i32) -> (i32, i32) {
    %c0_i32 = arith.constant 0 : i32
    %c0_i32_0 = arith.constant 0 : i32
    return %arg0, %c0_i32 : i32, i32
  }
  func.func @transform_4(%arg0: i32) -> (i32, i32) {
    %c0_i32 = arith.constant 0 : i32
    %c0_i32_0 = arith.constant 0 : i32
    return %arg0, %c0_i32 : i32, i32
  }
  func.func @transform_5(%arg0: i32) -> (i32, i32) {
    %c0_i32 = arith.constant 0 : i32
    %c0_i32_0 = arith.constant 0 : i32
    %c0_i32_1 = arith.constant 0 : i32
    return %c0_i32, %c0_i32_0 : i32, i32
  }
  func.func @transform_6(%arg0: i32) -> (i32, i32) {
    %c0_i32 = arith.constant 0 : i32
    %c0_i32_0 = arith.constant 0 : i32
    %c0_i32_1 = arith.constant 0 : i32
    return %c0_i32, %c0_i32_0 : i32, i32
  }
  func.func @transform_7(%arg0: i32) -> (i32, i32, i32) {
    %c0_i32 = arith.constant 0 : i32
    %c0_i32_0 = arith.constant 0 : i32
    %c0_i32_1 = arith.constant 0 : i32
    return %arg0, %c0_i32, %c0_i32_0 : i32, i32, i32
  }
}

</mosaic_0001>

<sc_bundles>
// kernel: kernel.6.cloned.1.call-start
scs
__scs_entry_jumppad:
0x0: {  	(pc) =	sbr.rel $0x88, $3  }
0x1: {  	(tag) =	ssettag $0x0;
	lr =	simm.s32 $0x1  }
0x2: {  	[smem:$0x3F99] =	sst lr;
	_ =	strace $0xD0000000  }
0x3: {  	_ = 	snop  }
0x4: {  	_ = 	snop  }
0x5: {  	_ = 	snop  }
0x6: {  	_ = 	snop  }
0x7: {  	_ = 	snop  }
__scs_overlays_trampoline_lowered:
0x8: {  	[smem:$0x3FA8] =	sst s0  }
0x9: {  	[smem:$0x3FA9] =	sst s1  }
0xa: {  	[smem:$0x3FAA] =	sst s2  }
0xb: {  	[smem:$0x3FAB] =	sst s3  }
0xc: {  	[smem:$0x3FAC] =	sst s4  }
0xd: {  	[smem:$0x3FAD] =	sst s5  }
0xe: {  	[smem:$0x3FAE] =	sst s6  }
0xf: {  	[smem:$0x3FAF] =	sst s7  }
0x10: {  	[smem:$0x3FB0] =	sst s8  }
0x11: {  	[smem:$0x3FB1] =	sst s9;
	s0 =	simm.s32 @!p0 $0x0  }
0x12: {  	s1 =	sld [smem:$0x3F97];
	s0 =	simm.s32 @p0 $0x1  }
0x13: {  	[smem:$0x3FB2] =	sst s0;
	s0 =	simm.s32 @!p1 $0x0  }
0x14: {  	s2 =	sld [smem:$0x3F96];
	s0 =	simm.s32 @p1 $0x1  }
0x15: {  	[smem:$0x3FB3] =	sst s0;
	s0 =	simm.s32 @!p2 $0x0  }
0x16: {  	s3 =	sld [smem:$0x3FDB];
	s0 =	simm.s32 @p2 $0x1  }
0x17: {  	s4 =	simm.s32 $0x1BF5;
	[smem:$0x3FB5] =	sst s0  }
0x18: {  	s0 =	sld [smem:$0x3F98];
	_ =	swait.ge [sflag:s4], $0x0  }
0x19: {  	s7 =	sld [smem:$0x3F99]  }
0x1a: {  	s8 =	sadd.s32 $0xFFFFE003, lr  }
0x1b: {  	s9 =	sadd.s32 $0xFFFFFEF7, lr;
	s5 =	simm.s32 $0xFFFFFFFF;
	p2 =	slt.u32 s8, $0xFFFFF086  }
0x1c: {  	p1 =	slt.u32 s9, $0xF7A;
	s5 =	simm.s32 @!p2 $0x0  }
0x1d: {  	s5 =	simm.s32 @p1 $0x1;
	p0 =	seq.s32 s7, s2  }
0x1e: {  	s7 =	smul.u32 @!p0 $0xF7A, s2;
	p2 =	seq.s32 @!p0 s5, $0x0  }
0x1f: {  	s9 =	smul.u32 $0xF7A, s1;
	s8 =	simm.s32 @!p0 $0x1BF5;
	p2 =	por !p2, p0  }
0x20: {  	[sflag:s8] =	ssyncset.s32 @!p0 $0xFFFFF086;
	s6 =	sadd.s32 @!p0 s3, s7;
	s7 =	simm.s32 @!p0 $0x108  }
0x21: {  	s3 =	sadd.s32 s3, s9;
	s6 =	sadd.s32 @!p0 $0x88, s6;
	s7 =	simm.s32 @p2 $0x1082  }
0x22: {  	[simem:s7], [sflag:s8] =	dma.local @!p0 [hbm:s6], $0xF7A  }
0x23: {  	s9 =	sor.u32 $0xD0000000, s2;
	s6 =	simm.s32 $0x108;
	_ =	swait.ge @!p0 [sflag:s8], $0x0  }
0x24: {  	s3 =	sadd.s32 $0x88, s3;
	s6 =	simm.s32 @!p1 $0x1082;
	[sflag:s4] =	ssyncset.s32 $0xFFFFF086  }
0x25: {  	[simem:s6], [sflag:s4] =	dma.local [hbm:s3], $0xF7A  }
0x26: {  	[smem:$0x3F99] =	sst s1;
	(tag) =	ssettag s2;
	_ =	strace s9  }
0x27: {  	s1 =	sld [smem:$0x3FA9]  }
0x28: {  	s2 =	sld [smem:$0x3FAA]  }
0x29: {  	s4 =	sld [smem:$0x3FAC]  }
0x2a: {  	p0 =	seq.s32 s5, $0x0;
	s5 =	sld [smem:$0x3FAD]  }
0x2b: {  	s6 =	sld [smem:$0x3FAE]  }
0x2c: {  	s7 =	sld [smem:$0x3FAF]  }
0x2d: {  	s3 =	simm.s32 $0x108;
	s8 =	sld [smem:$0x3FB0]  }
0x2e: {  	s3 =	simm.s32 @!p0 $0x1082;
	s9 =	sld [smem:$0x3FB1]  }
0x2f: {  	lr =	sadd.s32 s0, s3;
	s0 =	sld [smem:$0x3FA8]  }
0x30: {  	s3 =	sld [smem:$0x3FAB]  }
0x31: {  	[smem:$0x3FB4] =	sst s10  }
0x32: {  	s10 =	sld [smem:$0x3FB2];
	_ =	sdelay $0x3  }
0x33: {  	p0 =	seq.s32 s10, $0x1;
	s10 =	sld [smem:$0x3FB4];
	_ =	sdelay $0x3  }
0x34: {  	[smem:$0x3FB4] =	sst s10  }
0x35: {  	s10 =	sld [smem:$0x3FB3];
	_ =	sdelay $0x3  }
0x36: {  	p1 =	seq.s32 s10, $0x1;
	s10 =	sld [smem:$0x3FB4];
	_ =	sdelay $0x3  }
0x37: {  	[smem:$0x3FB4] =	sst s10  }
0x38: {  	s10 =	sld [smem:$0x3FB5]  }
0x39: {  	_ = 	snop;
	(pc) =	sbr.ind lr, $3  }
0x3a: {  	_ = 	snop  }
0x3b: {  	_ = 	snop  }
0x3c: {  	p2 =	seq.s32 s10, $0x1;
	s10 =	sld [smem:$0x3FB4]  }
0x3d: {  	_ =	shalt  }
0x3e: {  	_ =	shalt  }
0x3f: {  	_ =	shalt  }
0x40: {  	_ =	shalt  }
0x41: {  	_ =	shalt  }
0x42: {  	_ =	shalt  }
0x43: {  	_ =	shalt  }
0x44: {  	_ =	shalt  }
0x45: {  	_ =	shalt  }
0x46: {  	_ =	shalt  }
0x47: {  	_ =	shalt  }
0x48: {  	_ =	shalt  }
0x49: {  	_ =	shalt  }
0x4a: {  	_ =	shalt  }
0x4b: {  	_ =	shalt  }
0x4c: {  	_ =	shalt  }
0x4d: {  	_ =	shalt  }
0x4e: {  	_ =	shalt  }
0x4f: {  	_ =	shalt  }
0x50: {  	_ =	shalt  }
0x51: {  	_ =	shalt  }
0x52: {  	_ =	shalt  }
0x53: {  	_ =	shalt  }
0x54: {  	_ =	shalt  }
0x55: {  	_ =	shalt  }
0x56: {  	_ =	shalt  }
0x57: {  	_ =	shalt  }
0x58: {  	_ =	shalt  }
0x59: {  	_ =	shalt  }
0x5a: {  	_ =	shalt  }
0x5b: {  	_ =	shalt  }
0x5c: {  	_ =	shalt  }
0x5d: {  	_ =	shalt  }
0x5e: {  	_ =	shalt  }
0x5f: {  	_ =	shalt  }
0x60: {  	_ =	shalt  }
0x61: {  	_ =	shalt  }
0x62: {  	_ =	shalt  }
0x63: {  	_ =	shalt  }
0x64: {  	_ =	shalt  }
0x65: {  	_ =	shalt  }
0x66: {  	_ =	shalt  }
0x67: {  	_ =	shalt  }
0x68: {  	_ =	shalt  }
0x69: {  	_ =	shalt  }
0x6a: {  	_ =	shalt  }
0x6b: {  	_ =	shalt  }
0x6c: {  	_ =	shalt  }
0x6d: {  	_ =	shalt  }
0x6e: {  	_ =	shalt  }
0x6f: {  	_ =	shalt  }
0x70: {  	_ =	shalt  }
0x71: {  	_ =	shalt  }
0x72: {  	_ =	shalt  }
0x73: {  	_ =	shalt  }
0x74: {  	_ =	shalt  }
0x75: {  	_ =	shalt  }
0x76: {  	_ =	shalt  }
0x77: {  	_ =	shalt  }
0x78: {  	_ =	shalt  }
0x79: {  	_ =	shalt  }
0x7a: {  	_ =	shalt  }
0x7b: {  	_ =	shalt  }
0x7c: {  	_ =	shalt  }
0x7d: {  	_ =	shalt  }
0x7e: {  	_ =	shalt  }
0x7f: {  	_ =	shalt  }
0x80: {  	_ =	shalt  }
0x81: {  	_ =	shalt  }
0x82: {  	_ =	shalt  }
0x83: {  	_ =	shalt  }
0x84: {  	_ =	shalt  }
0x85: {  	_ =	shalt  }
0x86: {  	_ =	shalt  }
0x87: {  	_ =	shalt  }
.Lfunc_end0:
.L_simem_size_0:
called_computation_lowered:
.L_overlay_start_0:
0x88: {  	s2 =	sld [smem:$0x3FD9]  }
0x89: {  	s3 =	sld [smem:$0x3FFE];
	_ =	sdelay $0x1  }
0x8a: {  	s1 =	srdreg.scid  }
0x8b: {  	s0 =	sand.u32 $0x1, s1  }
0x8c: {  	s17 =	sshll.u32 s0, $0xA;
	s2 =	sadd.s32 s3, s2  }
0x8d: {  	s2 =	sadd.s32 s2, s17  }
0x8e: {  	[smem:$0x3FC0] =	sst s2  }
0x8f: {  	_ = 	snop  }
0x90: {  	s18 =	sld [smem:$0x3FC2]  }
0x91: {  	s4 =	sld [smem:$0x3FD0];
	(tm) =	ssettm $0x1  }
0x92: {  	s19 =	sld [smem:$0x3FFB];
	_ =	sdelay $0x3  }
0x93: {  	_ =	strace s19  }
0x94: {  	s2 =	sld [smem:$0x3FFC];
	_ =	sdelay $0x3  }
0x95: {  	_ =	strace s2  }
0x96: {  	s2 =	sld [smem:$0x3FFD];
	_ =	sdelay $0x3  }
0x97: {  	_ =	strace s2  }
0x98: {  	_ =	strace $0x8FFFFFFF  }
0x99: {  	s20 =	sld [smem:$0x3FDB];
	_ =	sdelay $0x1  }
0x9a: {  	s5 =	simm.s32 $_scs_section_size  }
0x9b: {  	s6 =	simm.s32 $_size__tile_overlayer_lowered;
	s7 =	simm.s32 $_tile_overlayer_lowered  }
0x9c: {  	s8 =	simm.s32 $0x1BFF;
	s21 =	sshll.u32 s7, $0x1;
	s5 =	sadd.s32 s5, s20  }
0x9d: {  	s22 =	simm.s32 $0x0;
	s6 =	sshll.u32 s6, $0x1;
	s7 =	sadd.s32 s21, s5  }
0x9e: {  	[timem:s22], [sflag:s8] =	dma.local [hbm:s7], s6  }
0x9f: {  	_ =	swait.ge [sflag:s8], s6  }
0xa0: {  	s6 =	ssub.s32 $0x0, s6;
	[sflag:s8] =	ssyncset.done $0x0  }
0xa1: {  	[sflag:s8] =	ssyncadd.s32 s6;
	_ =	sdelay $0x1  }
0xa2: {  	s23 =	simm.s32 $0x1B8B  }
0xa3: {  	_ =	swait.ge [sflag:s23], $0x1  }
0xa4: {  	[sflag:s23] =	ssyncset.done $0x0  }
0xa5: {  	[sflag:s23] =	ssyncadd.s32 $0xFFFFFFFF  }
0xa6: {  	s6 =	sld [smem:$0x0]  }
0xa7: {  	s7 =	sand.u32 $0xFFFFFFFE, s1  }
0xa8: {  	p0 =	sne.s32 s1, s7  }
0xa9: {  	s7 =	sshll.u32 @p0 s7, $0xE  }
0xaa: {  	s7 =	sadd.s32 @p0 $0x11B8D, s7;
	s8 =	sshll.u32 @p0 s6, $0x11  }
0xab: {  	s7 =	sor.u32 @p0 s8, s7  }
0xac: {  	[sflag:s7] =	ssyncadd.remote.s32 @p0 $0x1;
	_ =	sdelay $0x1  }
0xad: {  	s7 =	simm.s32 @p0 $0x1B8D  }
0xae: {  	_ =	swait.eq @p0 [sflag:s7], $0x1  }
0xaf: {  	[sflag:s7] =	ssyncadd.s32 @p0 $0xFFFFFFFF  }
0xb0: {  	s8 =	sshll.u32 @!p0 s1, $0xE  }
0xb1: {  	s8 =	sor.u32 @!p0 $0x4000, s8;
	s7 =	simm.s32 @!p0 $0x1B8D  }
0xb2: {  	s6 =	sshll.u32 @!p0 s6, $0x11;
	s8 =	sadd.s32 @!p0 $0x11B8D, s8;
	_ =	swait.eq @!p0 [sflag:s7], $0x1  }
0xb3: {  	s6 =	sor.u32 @!p0 s6, s8;
	[sflag:s7] =	ssyncadd.s32 @!p0 $0xFFFFFFFF  }
0xb4: {  	s25 =	simm.s32 $0x1B8E;
	s24 =	sld [smem:$0x3FFE];
	[sflag:s6] =	ssyncadd.remote.s32 @!p0 $0x1  }
0xb5: {  	s26 =	simm.s32 $execute0_lowered;
	[smem:$0x3FD2] =	sst s25  }
0xb6: {  	s7 =	sshll.u32 s26, $0x1;
	_ =	strace $0x80000049;
	[dreg:$0x1] =	wrdreg $0xFFFFFFFF  }
0xb7: {  	s28 =	simm.s32 $_size_execute0_lowered;
	s5 =	sadd.s32 s5, s7;
	[dreg:$0x0] =	wrdreg $0x0  }
0xb8: {  	s7 =	sshll.u32 s28, $0x1;
	[dreg:$0x2] =	wrdreg s5  }
0xb9: {  	[dreg:$0x3] =	wrdreg s7  }
0xba: {  	[dreg:$0x4] =	wrdreg $0xC0  }
0xbb: {  	_ =	task [dreg:s22], $0x5FFFF  }
0xbc: {  	[dreg:$0x1] =	wrdreg $0xFFFFFFFF  }
0xbd: {  	[dreg:$0x0] =	wrdreg $0x60  }
0xbe: {  	[dreg:$0x2] =	wrdreg s24  }
0xbf: {  	[dreg:$0x3] =	wrdreg s4  }
0xc0: {  	[dreg:$0x4] =	wrdreg s18  }
0xc1: {  	[dreg:$0x5] =	wrdreg $0x9  }
0xc2: {  	_ =	task.clear_ibuf [dreg:s22], $0x6FFFF;
	_ =	strace $0x90000049  }
0xc3: {  	s29 =	simm.s32 $0x9;
	_ =	strace $0x8000004B  }
0xc4: {  	_ =	swait.ge [sflag:s29], $0x1  }
0xc5: {  	[sflag:s29] =	ssyncadd.s32 $0xFFFFFFFF  }
0xc6: {  	_ =	strace $0x9000004B  }
0xc7: {  	_ =	sfence  }
0xc8: {  	s30 =	sld [smem:$0x0];
	_ =	sdelay $0x2  }
0xc9: {  	s31 =	sshll.u32 s1, $0xD;
	s1 =	sshrl.u32 s1, $0x2  }
0xca: {  	s4 =	sand.u32 $0x4000, s31;
	s1 =	sadd.s32 s1, s30  }
0xcb: {  	s0 =	sor.u32 s4, s0;
	s1 =	sshll.u32 s1, $0x11  }
0xcc: {  	s0 =	sor.u32 s1, s0  }
0xcd: {  	s0 =	sadd.s32 $0x8F2B, s0  }
0xce: {  	[sflag:s0] =	ssyncadd.remote.s32 $0x1  }
0xcf: {  	_ =	sfence.sel $0xFFFF  }
0xd0: {  	[dreg:$0x0] =	wrdreg $0xFFFFFFFF;
	(pc) =	sbr.abs _section_cstart, $3  }
0xd1: {  	[dreg:$0x1] =	wrdreg $0xFFFFFFFF  }
0xd2: {  	_ =	task.clear_ibuf [dreg:s22], $0x2FFFF;
	_ =	strace $0x9FFFFFFF  }
0xd3: {  	(tm) =	ssettm $0x7FFFFFFF  }
tec
execute0_lowered:
.L_overlay_start_1:
0x0: {  	(tag) =	ssettag $0x1  }
0x1: {  	s12 =	rddreg [dreg:$0x0];
	s1 =	srdreg.scid  }
0x2: {  	s22 =	rddreg [dreg:$0x1];
	s0 =	stileid.u32;
	s23 =	sand.u32 $0x1, s1  }
0x3: {  	s2 =	rddreg [dreg:$0x2];
	s4 =	sshll.u32 s0, $0xA;
	s5 =	sshll.u32 s23, $0x9  }
0x4: {  	s3 =	simm.s32 $0x0;
	s1 =	rddreg [dreg:$0x3];
	s24 =	sor.u32 s5, s4  }
0x5: {  	[smem:$0x7FF] =	sst s3;
	s21 =	sadd.s32 $0x2200, s12;
	s6 =	sshrl.u32 s24, $0x3  }
0x6: {  	_ =	strace $0x8000004A;
	s4 =	simm.s32 $0x2;
	s5 =	sadd.s32 s21, s6  }
0x7: {  	[tilespmem:s3], [sflag:$0x2] =	stream.linear.gather [hbm4b:s5+s3], $0x80, $0x38;
	[tilespmem:$0x8100] =	vst v63  }
0x8: {  	_ =	swait.ge [sflag:s4], $0x80  }
0x9: {  	[sflag:s4] =	ssyncset.done $0x0  }
0xa: {  	s7 =	simm.s32 $0x80;
	s6 =	sadd.s32 s22, s6;
	[sflag:s4] =	ssyncadd.s32 $0xFFFFFF80  }
0xb: {  	[tilespmem:s7], [sflag:$0x2] =	stream.linear.gather [hbm4b:s6+s3], $0x80, $0x38;
	[tilespmem:$0x8100] =	vst v63  }
0xc: {  	_ =	swait.ge [sflag:s4], $0x80  }
0xd: {  	[sflag:s4] =	ssyncset.done $0x0  }
0xe: {  	s8 =	simm.s32 $0x100;
	[sflag:s4] =	ssyncadd.s32 $0xFFFFFF80  }
0xf: {  	[tilespmem:s8], [sflag:$0x1] =	stream.indirect.gather [hbm4b:s2+s7], $0x80, s3, s7, $0xb8;
	[tilespmem:$0x8100] =	vst v63  }
0x10: {  	s9 =	simm.s32 $0x4100;
	s10 =	simm.s32 $0x1  }
0x11: {  	[tilespmem:s9], [sflag:$0x1] =	stream.indirect.gather [hbm4b:s2+s7], $0x80, s7, s7, $0xb8;
	[tilespmem:$0x8100] =	vst v63  }
0x12: {  	_ =	swait.ge [sflag:s10], $0x4000  }
0x13: {  	[sflag:s10] =	ssyncset.done $0x0  }
0x14: {  	[sflag:s10] =	ssyncadd.s32 $0xFFFFC000  }
0x15: {  	_ =	swait.ge [sflag:s10], $0x4000  }
0x16: {  	s25 =	sadd.s32 $0x249400, s12;
	s13 =	sshll.u32 s24, $0x4;
	[sflag:s10] =	ssyncset.done $0x0  }
0x17: {  	s11 =	sadd.s32 s25, s13;
	[sflag:s10] =	ssyncadd.s32 $0xFFFFC000  }
0x18: {  	[hbm4b:s11+s3] =	stream.linear.scatter [tilespmem:s8], [sflag:$0x2], $0x4000, $0x38;
	[tilespmem:$0x8100] =	vst v63  }
0x19: {  	_ =	swait.ge [sflag:s4], $0x4000  }
0x1a: {  	s26 =	sadd.s32 $0x289400, s12;
	[sflag:s4] =	ssyncset.done $0x0  }
0x1b: {  	s12 =	sadd.s32 s26, s13;
	[sflag:s4] =	ssyncadd.s32 $0xFFFFC000  }
0x1c: {  	[hbm4b:s12+s3] =	stream.linear.scatter [tilespmem:s9], [sflag:$0x2], $0x4000, $0x38;
	[tilespmem:$0x8100] =	vst v63  }
0x1d: {  	s15 =	sor.u32 $0x80, s24;
	_ =	swait.ge [sflag:s4], $0x4000  }
0x1e: {  	s14 =	sshrl.u32 s15, $0x3;
	[sflag:s4] =	ssyncset.done $0x0  }
0x1f: {  	s13 =	sadd.s32 s21, s14;
	[sflag:s4] =	ssyncadd.s32 $0xFFFFC000  }
0x20: {  	[tilespmem:s3], [sflag:$0x2] =	stream.linear.gather [hbm4b:s13+s3], $0x80, $0x38;
	[tilespmem:$0x8100] =	vst v63  }
0x21: {  	_ =	swait.ge [sflag:s4], $0x80  }
0x22: {  	[sflag:s4] =	ssyncset.done $0x0  }
0x23: {  	s14 =	sadd.s32 s22, s14;
	[sflag:s4] =	ssyncadd.s32 $0xFFFFFF80  }
0x24: {  	[tilespmem:s7], [sflag:$0x2] =	stream.linear.gather [hbm4b:s14+s3], $0x80, $0x38;
	[tilespmem:$0x8100] =	vst v63  }
0x25: {  	_ =	swait.ge [sflag:s4], $0x80  }
0x26: {  	[sflag:s4] =	ssyncset.done $0x0  }
0x27: {  	[sflag:s4] =	ssyncadd.s32 $0xFFFFFF80  }
0x28: {  	[tilespmem:s8], [sflag:$0x1] =	stream.indirect.gather [hbm4b:s2+s7], $0x80, s3, s7, $0xb8;
	[tilespmem:$0x8100] =	vst v63  }
0x29: {  	_ = 	snop  }
0x2a: {  	[tilespmem:s9], [sflag:$0x1] =	stream.indirect.gather [hbm4b:s2+s7], $0x80, s7, s7, $0xb8;
	[tilespmem:$0x8100] =	vst v63  }
0x2b: {  	_ =	swait.ge [sflag:s10], $0x4000  }
0x2c: {  	[sflag:s10] =	ssyncset.done $0x0  }
0x2d: {  	[sflag:s10] =	ssyncadd.s32 $0xFFFFC000  }
0x2e: {  	_ =	swait.ge [sflag:s10], $0x4000  }
0x2f: {  	s16 =	sshll.u32 s15, $0x4;
	[sflag:s10] =	ssyncset.done $0x0  }
0x30: {  	s15 =	sadd.s32 s25, s16;
	[sflag:s10] =	ssyncadd.s32 $0xFFFFC000  }
0x31: {  	[hbm4b:s15+s3] =	stream.linear.scatter [tilespmem:s8], [sflag:$0x2], $0x4000, $0x38;
	[tilespmem:$0x8100] =	vst v63  }
0x32: {  	_ =	swait.ge [sflag:s4], $0x4000  }
0x33: {  	[sflag:s4] =	ssyncset.done $0x0  }
0x34: {  	s16 =	sadd.s32 s26, s16;
	[sflag:s4] =	ssyncadd.s32 $0xFFFFC000  }
0x35: {  	[hbm4b:s16+s3] =	stream.linear.scatter [tilespmem:s9], [sflag:$0x2], $0x4000, $0x38;
	[tilespmem:$0x8100] =	vst v63  }
0x36: {  	s19 =	sor.u32 $0x100, s24;
	_ =	swait.ge [sflag:s4], $0x4000  }
0x37: {  	s18 =	sshrl.u32 s19, $0x3;
	[sflag:s4] =	ssyncset.done $0x0  }
0x38: {  	s17 =	sadd.s32 s21, s18;
	[sflag:s4] =	ssyncadd.s32 $0xFFFFC000  }
0x39: {  	[tilespmem:s3], [sflag:$0x2] =	stream.linear.gather [hbm4b:s17+s3], $0x80, $0x38;
	[tilespmem:$0x8100] =	vst v63  }
0x3a: {  	_ =	swait.ge [sflag:s4], $0x80  }
0x3b: {  	[sflag:s4] =	ssyncset.done $0x0  }
0x3c: {  	s18 =	sadd.s32 s22, s18;
	[sflag:s4] =	ssyncadd.s32 $0xFFFFFF80  }
0x3d: {  	[tilespmem:s7], [sflag:$0x2] =	stream.linear.gather [hbm4b:s18+s3], $0x80, $0x38;
	[tilespmem:$0x8100] =	vst v63  }
0x3e: {  	_ =	swait.ge [sflag:s4], $0x80  }
0x3f: {  	[sflag:s4] =	ssyncset.done $0x0  }
0x40: {  	[sflag:s4] =	ssyncadd.s32 $0xFFFFFF80  }
0x41: {  	[tilespmem:s8], [sflag:$0x1] =	stream.indirect.gather [hbm4b:s2+s7], $0x80, s3, s7, $0xb8;
	[tilespmem:$0x8100] =	vst v63  }
0x42: {  	_ = 	snop  }
0x43: {  	[tilespmem:s9], [sflag:$0x1] =	stream.indirect.gather [hbm4b:s2+s7], $0x80, s7, s7, $0xb8;
	[tilespmem:$0x8100] =	vst v63  }
0x44: {  	_ =	swait.ge [sflag:s10], $0x4000  }
0x45: {  	[sflag:s10] =	ssyncset.done $0x0  }
0x46: {  	[sflag:s10] =	ssyncadd.s32 $0xFFFFC000  }
0x47: {  	_ =	swait.ge [sflag:s10], $0x4000  }
0x48: {  	s20 =	sshll.u32 s19, $0x4;
	[sflag:s10] =	ssyncset.done $0x0  }
0x49: {  	s19 =	sadd.s32 s25, s20;
	[sflag:s10] =	ssyncadd.s32 $0xFFFFC000  }
0x4a: {  	[hbm4b:s19+s3] =	stream.linear.scatter [tilespmem:s8], [sflag:$0x2], $0x4000, $0x38;
	[tilespmem:$0x8100] =	vst v63  }
0x4b: {  	_ =	swait.ge [sflag:s4], $0x4000  }
0x4c: {  	[sflag:s4] =	ssyncset.done $0x0  }
0x4d: {  	s20 =	sadd.s32 s26, s20;
	[sflag:s4] =	ssyncadd.s32 $0xFFFFC000  }
0x4e: {  	[hbm4b:s20+s3] =	stream.linear.scatter [tilespmem:s9], [sflag:$0x2], $0x4000, $0x38;
	[tilespmem:$0x8100] =	vst v63  }
0x4f: {  	s24 =	sor.u32 $0x180, s24;
	_ =	swait.ge [sflag:s4], $0x4000  }
0x50: {  	s28 =	sshrl.u32 s24, $0x3;
	[sflag:s4] =	ssyncset.done $0x0  }
0x51: {  	s21 =	sadd.s32 s21, s28;
	[sflag:s4] =	ssyncadd.s32 $0xFFFFC000  }
0x52: {  	[tilespmem:s3], [sflag:$0x2] =	stream.linear.gather [hbm4b:s21+s3], $0x80, $0x38;
	[tilespmem:$0x8100] =	vst v63  }
0x53: {  	_ =	swait.ge [sflag:s4], $0x80  }
0x54: {  	[sflag:s4] =	ssyncset.done $0x0  }
0x55: {  	s22 =	sadd.s32 s22, s28;
	[sflag:s4] =	ssyncadd.s32 $0xFFFFFF80  }
0x56: {  	[tilespmem:s7], [sflag:$0x2] =	stream.linear.gather [hbm4b:s22+s3], $0x80, $0x38;
	[tilespmem:$0x8100] =	vst v63  }
0x57: {  	_ =	swait.ge [sflag:s4], $0x80  }
0x58: {  	[sflag:s4] =	ssyncset.done $0x0  }
0x59: {  	[sflag:s4] =	ssyncadd.s32 $0xFFFFFF80  }
0x5a: {  	[tilespmem:s8], [sflag:$0x1] =	stream.indirect.gather [hbm4b:s2+s7], $0x80, s3, s7, $0xb8;
	[tilespmem:$0x8100] =	vst v63  }
0x5b: {  	_ = 	snop  }
0x5c: {  	[tilespmem:s9], [sflag:$0x1] =	stream.indirect.gather [hbm4b:s2+s7], $0x80, s7, s7, $0xb8;
	[tilespmem:$0x8100] =	vst v63  }
0x5d: {  	_ =	swait.ge [sflag:s10], $0x4000  }
0x5e: {  	[sflag:s10] =	ssyncset.done $0x0  }
0x5f: {  	s30 =	ssub.s32 $0x2, s23;
	[sflag:s10] =	ssyncadd.s32 $0xFFFFC000  }
0x60: {  	s31 =	sshrl.u32 s30, $0x1;
	s24 =	sshll.u32 s24, $0x4;
	_ =	swait.ge [sflag:s10], $0x4000  }
0x61: {  	s23 =	sadd.s32 s25, s24;
	s25 =	ssub.s32 s30, s31;
	[sflag:s10] =	ssyncset.done $0x0  }
0x62: {  	s25 =	smax.u32 s25, $0x1;
	[sflag:s10] =	ssyncadd.s32 $0xFFFFC000  }
0x63: {  	[hbm4b:s23+s3] =	stream.linear.scatter [tilespmem:s8], [sflag:$0x2], $0x4000, $0x38;
	[tilespmem:$0x8100] =	vst v63  }
0x64: {  	p0 =	sne.s32 s25, $0x1;
	_ =	swait.ge [sflag:s4], $0x4000  }
.Ltmp0:
0x65: {  	[sflag:s4] =	ssyncset.done $0x0;
	(pc) =	sbr.rel @!p0 .LBB2_2-.Ltmp0, $4  }
0x66: {  	s24 =	sadd.s32 s26, s24;
	[sflag:s4] =	ssyncadd.s32 $0xFFFFC000  }
0x67: {  	[hbm4b:s24+s3] =	stream.linear.scatter [tilespmem:s9], [sflag:$0x2], $0x4000, $0x38;
	[tilespmem:$0x8100] =	vst v63  }
0x68: {  	_ =	swait.ge [sflag:s4], $0x4000  }
0x69: {  	s25 =	sadd.s32 $0xFFFFFFFF, s25;
	[sflag:s4] =	ssyncset.done $0x0  }
.LBB2_1:
0x6a: {  	p0 =	sne.s32 s25, $0x1;
	s25 =	sadd.s32 $0xFFFFFFFF, s25;
	[sflag:s4] =	ssyncadd.s32 $0xFFFFC000  }
0x6b: {  	[tilespmem:s3], [sflag:$0x2] =	stream.linear.gather [hbm4b:s5+s3], $0x80, $0x38;
	[tilespmem:$0x8100] =	vst v63  }
0x6c: {  	_ =	swait.ge [sflag:s4], $0x80  }
0x6d: {  	[sflag:s4] =	ssyncset.done $0x0  }
0x6e: {  	[sflag:s4] =	ssyncadd.s32 $0xFFFFFF80  }
0x6f: {  	[tilespmem:s7], [sflag:$0x2] =	stream.linear.gather [hbm4b:s6+s3], $0x80, $0x38;
	[tilespmem:$0x8100] =	vst v63  }
0x70: {  	_ =	swait.ge [sflag:s4], $0x80  }
0x71: {  	[sflag:s4] =	ssyncset.done $0x0  }
0x72: {  	[sflag:s4] =	ssyncadd.s32 $0xFFFFFF80  }
0x73: {  	[tilespmem:s8], [sflag:$0x1] =	stream.indirect.gather [hbm4b:s2+s7], $0x80, s3, s7, $0xb8;
	[tilespmem:$0x8100] =	vst v63  }
0x74: {  	_ = 	snop  }
0x75: {  	[tilespmem:s9], [sflag:$0x1] =	stream.indirect.gather [hbm4b:s2+s7], $0x80, s7, s7, $0xb8;
	[tilespmem:$0x8100] =	vst v63  }
0x76: {  	_ =	swait.ge [sflag:s10], $0x4000  }
0x77: {  	[sflag:s10] =	ssyncset.done $0x0  }
0x78: {  	[sflag:s10] =	ssyncadd.s32 $0xFFFFC000  }
0x79: {  	_ =	swait.ge [sflag:s10], $0x4000  }
0x7a: {  	[sflag:s10] =	ssyncset.done $0x0  }
0x7b: {  	[sflag:s10] =	ssyncadd.s32 $0xFFFFC000  }
0x7c: {  	[hbm4b:s11+s3] =	stream.linear.scatter [tilespmem:s8], [sflag:$0x2], $0x4000, $0x38;
	[tilespmem:$0x8100] =	vst v63  }
0x7d: {  	_ =	swait.ge [sflag:s4], $0x4000  }
0x7e: {  	[sflag:s4] =	ssyncset.done $0x0  }
0x7f: {  	[sflag:s4] =	ssyncadd.s32 $0xFFFFC000  }
0x80: {  	[hbm4b:s12+s3] =	stream.linear.scatter [tilespmem:s9], [sflag:$0x2], $0x4000, $0x38;
	[tilespmem:$0x8100] =	vst v63  }
0x81: {  	_ =	swait.ge [sflag:s4], $0x4000  }
0x82: {  	[sflag:s4] =	ssyncset.done $0x0  }
0x83: {  	[sflag:s4] =	ssyncadd.s32 $0xFFFFC000  }
0x84: {  	[tilespmem:s3], [sflag:$0x2] =	stream.linear.gather [hbm4b:s13+s3], $0x80, $0x38;
	[tilespmem:$0x8100] =	vst v63  }
0x85: {  	_ =	swait.ge [sflag:s4], $0x80  }
0x86: {  	[sflag:s4] =	ssyncset.done $0x0  }
0x87: {  	[sflag:s4] =	ssyncadd.s32 $0xFFFFFF80  }
0x88: {  	[tilespmem:s7], [sflag:$0x2] =	stream.linear.gather [hbm4b:s14+s3], $0x80, $0x38;
	[tilespmem:$0x8100] =	vst v63  }
0x89: {  	_ =	swait.ge [sflag:s4], $0x80  }
0x8a: {  	[sflag:s4] =	ssyncset.done $0x0  }
0x8b: {  	[sflag:s4] =	ssyncadd.s32 $0xFFFFFF80  }
0x8c: {  	[tilespmem:s8], [sflag:$0x1] =	stream.indirect.gather [hbm4b:s2+s7], $0x80, s3, s7, $0xb8;
	[tilespmem:$0x8100] =	vst v63  }
0x8d: {  	_ = 	snop  }
0x8e: {  	[tilespmem:s9], [sflag:$0x1] =	stream.indirect.gather [hbm4b:s2+s7], $0x80, s7, s7, $0xb8;
	[tilespmem:$0x8100] =	vst v63  }
0x8f: {  	_ =	swait.ge [sflag:s10], $0x4000  }
0x90: {  	[sflag:s10] =	ssyncset.done $0x0  }
0x91: {  	[sflag:s10] =	ssyncadd.s32 $0xFFFFC000  }
0x92: {  	_ =	swait.ge [sflag:s10], $0x4000  }
0x93: {  	[sflag:s10] =	ssyncset.done $0x0  }
0x94: {  	[sflag:s10] =	ssyncadd.s32 $0xFFFFC000  }
0x95: {  	[hbm4b:s15+s3] =	stream.linear.scatter [tilespmem:s8], [sflag:$0x2], $0x4000, $0x38;
	[tilespmem:$0x8100] =	vst v63  }
0x96: {  	_ =	swait.ge [sflag:s4], $0x4000  }
0x97: {  	[sflag:s4] =	ssyncset.done $0x0  }
0x98: {  	[sflag:s4] =	ssyncadd.s32 $0xFFFFC000  }
0x99: {  	[hbm4b:s16+s3] =	stream.linear.scatter [tilespmem:s9], [sflag:$0x2], $0x4000, $0x38;
	[tilespmem:$0x8100] =	vst v63  }
0x9a: {  	_ =	swait.ge [sflag:s4], $0x4000  }
0x9b: {  	[sflag:s4] =	ssyncset.done $0x0  }
0x9c: {  	[sflag:s4] =	ssyncadd.s32 $0xFFFFC000  }
0x9d: {  	[tilespmem:s3], [sflag:$0x2] =	stream.linear.gather [hbm4b:s17+s3], $0x80, $0x38;
	[tilespmem:$0x8100] =	vst v63  }
0x9e: {  	_ =	swait.ge [sflag:s4], $0x80  }
0x9f: {  	[sflag:s4] =	ssyncset.done $0x0  }
0xa0: {  	[sflag:s4] =	ssyncadd.s32 $0xFFFFFF80  }
0xa1: {  	[tilespmem:s7], [sflag:$0x2] =	stream.linear.gather [hbm4b:s18+s3], $0x80, $0x38;
	[tilespmem:$0x8100] =	vst v63  }
0xa2: {  	_ =	swait.ge [sflag:s4], $0x80  }
0xa3: {  	[sflag:s4] =	ssyncset.done $0x0  }
0xa4: {  	[sflag:s4] =	ssyncadd.s32 $0xFFFFFF80  }
0xa5: {  	[tilespmem:s8], [sflag:$0x1] =	stream.indirect.gather [hbm4b:s2+s7], $0x80, s3, s7, $0xb8;
	[tilespmem:$0x8100] =	vst v63  }
0xa6: {  	_ = 	snop  }
0xa7: {  	[tilespmem:s9], [sflag:$0x1] =	stream.indirect.gather [hbm4b:s2+s7], $0x80, s7, s7, $0xb8;
	[tilespmem:$0x8100] =	vst v63  }
0xa8: {  	_ =	swait.ge [sflag:s10], $0x4000  }
0xa9: {  	[sflag:s10] =	ssyncset.done $0x0  }
0xaa: {  	[sflag:s10] =	ssyncadd.s32 $0xFFFFC000  }
0xab: {  	_ =	swait.ge [sflag:s10], $0x4000  }
0xac: {  	[sflag:s10] =	ssyncset.done $0x0  }
0xad: {  	[sflag:s10] =	ssyncadd.s32 $0xFFFFC000  }
0xae: {  	[hbm4b:s19+s3] =	stream.linear.scatter [tilespmem:s8], [sflag:$0x2], $0x4000, $0x38;
	[tilespmem:$0x8100] =	vst v63  }
0xaf: {  	_ =	swait.ge [sflag:s4], $0x4000  }
0xb0: {  	[sflag:s4] =	ssyncset.done $0x0  }
0xb1: {  	[sflag:s4] =	ssyncadd.s32 $0xFFFFC000  }
0xb2: {  	[hbm4b:s20+s3] =	stream.linear.scatter [tilespmem:s9], [sflag:$0x2], $0x4000, $0x38;
	[tilespmem:$0x8100] =	vst v63  }
0xb3: {  	_ =	swait.ge [sflag:s4], $0x4000  }
0xb4: {  	[sflag:s4] =	ssyncset.done $0x0  }
0xb5: {  	[sflag:s4] =	ssyncadd.s32 $0xFFFFC000  }
0xb6: {  	[tilespmem:s3], [sflag:$0x2] =	stream.linear.gather [hbm4b:s21+s3], $0x80, $0x38;
	[tilespmem:$0x8100] =	vst v63  }
0xb7: {  	_ =	swait.ge [sflag:s4], $0x80  }
0xb8: {  	[sflag:s4] =	ssyncset.done $0x0  }
0xb9: {  	[sflag:s4] =	ssyncadd.s32 $0xFFFFFF80  }
0xba: {  	[tilespmem:s7], [sflag:$0x2] =	stream.linear.gather [hbm4b:s22+s3], $0x80, $0x38;
	[tilespmem:$0x8100] =	vst v63  }
0xbb: {  	_ =	swait.ge [sflag:s4], $0x80  }
0xbc: {  	[sflag:s4] =	ssyncset.done $0x0  }
0xbd: {  	[sflag:s4] =	ssyncadd.s32 $0xFFFFFF80  }
0xbe: {  	[tilespmem:s8], [sflag:$0x1] =	stream.indirect.gather [hbm4b:s2+s7], $0x80, s3, s7, $0xb8;
	[tilespmem:$0x8100] =	vst v63  }
0xbf: {  	_ = 	snop  }
0xc0: {  	[tilespmem:s9], [sflag:$0x1] =	stream.indirect.gather [hbm4b:s2+s7], $0x80, s7, s7, $0xb8;
	[tilespmem:$0x8100] =	vst v63  }
0xc1: {  	_ =	swait.ge [sflag:s10], $0x4000  }
0xc2: {  	[sflag:s10] =	ssyncset.done $0x0  }
0xc3: {  	[sflag:s10] =	ssyncadd.s32 $0xFFFFC000  }
0xc4: {  	_ =	swait.ge [sflag:s10], $0x4000  }
0xc5: {  	[sflag:s10] =	ssyncset.done $0x0  }
0xc6: {  	[sflag:s10] =	ssyncadd.s32 $0xFFFFC000  }
0xc7: {  	[hbm4b:s23+s3] =	stream.linear.scatter [tilespmem:s8], [sflag:$0x2], $0x4000, $0x38;
	[tilespmem:$0x8100] =	vst v63  }
0xc8: {  	_ =	swait.ge [sflag:s4], $0x4000  }
.Ltmp1:
0xc9: {  	[sflag:s4] =	ssyncset.done $0x0;
	(pc) =	sbr.rel @p0 .LBB2_1-.Ltmp1, $4  }
0xca: {  	[sflag:s4] =	ssyncadd.s32 $0xFFFFC000  }
0xcb: {  	[hbm4b:s24+s3] =	stream.linear.scatter [tilespmem:s9], [sflag:$0x2], $0x4000, $0x38;
	[tilespmem:$0x8100] =	vst v63  }
0xcc: {  	_ =	swait.ge [sflag:s4], $0x4000  }
0xcd: {  	[sflag:s4] =	ssyncset.done $0x0  }
.LBB2_2:
0xce: {  	[sflag:s4] =	ssyncadd.s32 $0xFFFFC000  }
0xcf: {  	_ =	sfence.sel $0x180000  }
0xd0: {  	[bflag:$0x0] =	sbarrier.arrive $0xFFFF  }
0xd1: {  	p0 =	sne.s32 s0, $0x0;
	_ =	strace $0x9000004A  }
0xd2: {  	s0 =	sadd.s32 @!p0 $0x100000, s1;
	[bflag:$0x2] =	sbarrier.arrive $0xFFFF  }
0xd3: {  	[sflag:s0] =	ssyncadd.tile.s32 @!p0 $0x1;
	_ =	shalt  }
.Lfunc_end2:
_tile_overlayer_lowered:
.L_overlay_start_2:
0xd4: {  	(tag) =	ssettag $0x2  }
0xd5: {  	s0 =	rddreg [dreg:$0x0];
	s2 =	stileid.u32  }
0xd6: {  	s1 =	rddreg [dreg:$0x1];
	p0 =	sne.s32 s2, $0x0  }
0xd7: {  	s3 =	rddreg [dreg:$0x2];
	[bflag:$0x3] =	sbarrier.arrive $0xFFFF;
	s2 =	simm.s32 @!p0 $0x1C02  }
0xd8: {  	[timem:s3], [sflag:s2] =	dma.local @!p0 [hbm:s0], s1  }
0xd9: {  	s0 =	simm.s32 @!p0 $0x2  }
0xda: {  	_ =	swait.ge @!p0 [sflag:s0], s1  }
0xdb: {  	s1 =	ssub.s32 @!p0 $0x0, s1;
	[sflag:s0] =	ssyncset.done @!p0 $0x0  }
0xdc: {  	[sflag:s0] =	ssyncadd.s32 @!p0 s1  }
0xdd: {  	[bflag:$0x3] =	sbarrier.arrive $0xFFFF  }
0xde: {  	_ =	shalt  }

// kernel: kernel.9.cloned.1.call-start
scs
__scs_entry_jumppad:
0x0: {  	(pc) =	sbr.rel $0x88, $3  }
0x1: {  	(tag) =	ssettag $0x0;
	lr =	simm.s32 $0x1  }
0x2: {  	[smem:$0x3F99] =	sst lr;
	_ =	strace $0xD0000000  }
0x3: {  	_ = 	snop  }
0x4: {  	_ = 	snop  }
0x5: {  	_ = 	snop  }
0x6: {  	_ = 	snop  }
0x7: {  	_ = 	snop  }
__scs_overlays_trampoline_lowered:
0x8: {  	[smem:$0x3FA8] =	sst s0  }
0x9: {  	[smem:$0x3FA9] =	sst s1  }
0xa: {  	[smem:$0x3FAA] =	sst s2  }
0xb: {  	[smem:$0x3FAB] =	sst s3  }
0xc: {  	[smem:$0x3FAC] =	sst s4  }
0xd: {  	[smem:$0x3FAD] =	sst s5  }
0xe: {  	[smem:$0x3FAE] =	sst s6  }
0xf: {  	[smem:$0x3FAF] =	sst s7  }
0x10: {  	[smem:$0x3FB0] =	sst s8  }
0x11: {  	[smem:$0x3FB1] =	sst s9;
	s0 =	simm.s32 @!p0 $0x0  }
0x12: {  	s1 =	sld [smem:$0x3F97];
	s0 =	simm.s32 @p0 $0x1  }
0x13: {  	[smem:$0x3FB2] =	sst s0;
	s0 =	simm.s32 @!p1 $0x0  }
0x14: {  	s2 =	sld [smem:$0x3F96];
	s0 =	simm.s32 @p1 $0x1  }
0x15: {  	[smem:$0x3FB3] =	sst s0;
	s0 =	simm.s32 @!p2 $0x0  }
0x16: {  	s3 =	sld [smem:$0x3FDB];
	s0 =	simm.s32 @p2 $0x1  }
0x17: {  	s4 =	simm.s32 $0x1BF5;
	[smem:$0x3FB5] =	sst s0  }
0x18: {  	s0 =	sld [smem:$0x3F98];
	_ =	swait.ge [sflag:s4], $0x0  }
0x19: {  	s7 =	sld [smem:$0x3F99]  }
0x1a: {  	s8 =	sadd.s32 $0xFFFFE003, lr  }
0x1b: {  	s9 =	sadd.s32 $0xFFFFFEF7, lr;
	s5 =	simm.s32 $0xFFFFFFFF;
	p2 =	slt.u32 s8, $0xFFFFF086  }
0x1c: {  	p1 =	slt.u32 s9, $0xF7A;
	s5 =	simm.s32 @!p2 $0x0  }
0x1d: {  	s5 =	simm.s32 @p1 $0x1;
	p0 =	seq.s32 s7, s2  }
0x1e: {  	s7 =	smul.u32 @!p0 $0xF7A, s2;
	p2 =	seq.s32 @!p0 s5, $0x0  }
0x1f: {  	s9 =	smul.u32 $0xF7A, s1;
	s8 =	simm.s32 @!p0 $0x1BF5;
	p2 =	por !p2, p0  }
0x20: {  	[sflag:s8] =	ssyncset.s32 @!p0 $0xFFFFF086;
	s6 =	sadd.s32 @!p0 s3, s7;
	s7 =	simm.s32 @!p0 $0x108  }
0x21: {  	s3 =	sadd.s32 s3, s9;
	s6 =	sadd.s32 @!p0 $0x88, s6;
	s7 =	simm.s32 @p2 $0x1082  }
0x22: {  	[simem:s7], [sflag:s8] =	dma.local @!p0 [hbm:s6], $0xF7A  }
0x23: {  	s9 =	sor.u32 $0xD0000000, s2;
	s6 =	simm.s32 $0x108;
	_ =	swait.ge @!p0 [sflag:s8], $0x0  }
0x24: {  	s3 =	sadd.s32 $0x88, s3;
	s6 =	simm.s32 @!p1 $0x1082;
	[sflag:s4] =	ssyncset.s32 $0xFFFFF086  }
0x25: {  	[simem:s6], [sflag:s4] =	dma.local [hbm:s3], $0xF7A  }
0x26: {  	[smem:$0x3F99] =	sst s1;
	(tag) =	ssettag s2;
	_ =	strace s9  }
0x27: {  	s1 =	sld [smem:$0x3FA9]  }
0x28: {  	s2 =	sld [smem:$0x3FAA]  }
0x29: {  	s4 =	sld [smem:$0x3FAC]  }
0x2a: {  	p0 =	seq.s32 s5, $0x0;
	s5 =	sld [smem:$0x3FAD]  }
0x2b: {  	s6 =	sld [smem:$0x3FAE]  }
0x2c: {  	s7 =	sld [smem:$0x3FAF]  }
0x2d: {  	s3 =	simm.s32 $0x108;
	s8 =	sld [smem:$0x3FB0]  }
0x2e: {  	s3 =	simm.s32 @!p0 $0x1082;
	s9 =	sld [smem:$0x3FB1]  }
0x2f: {  	lr =	sadd.s32 s0, s3;
	s0 =	sld [smem:$0x3FA8]  }
0x30: {  	s3 =	sld [smem:$0x3FAB]  }
0x31: {  	[smem:$0x3FB4] =	sst s10  }
0x32: {  	s10 =	sld [smem:$0x3FB2];
	_ =	sdelay $0x3  }
0x33: {  	p0 =	seq.s32 s10, $0x1;
	s10 =	sld [smem:$0x3FB4];
	_ =	sdelay $0x3  }
0x34: {  	[smem:$0x3FB4] =	sst s10  }
0x35: {  	s10 =	sld [smem:$0x3FB3];
	_ =	sdelay $0x3  }
0x36: {  	p1 =	seq.s32 s10, $0x1;
	s10 =	sld [smem:$0x3FB4];
	_ =	sdelay $0x3  }
0x37: {  	[smem:$0x3FB4] =	sst s10  }
0x38: {  	s10 =	sld [smem:$0x3FB5]  }
0x39: {  	_ = 	snop;
	(pc) =	sbr.ind lr, $3  }
0x3a: {  	_ = 	snop  }
0x3b: {  	_ = 	snop  }
0x3c: {  	p2 =	seq.s32 s10, $0x1;
	s10 =	sld [smem:$0x3FB4]  }
0x3d: {  	_ =	shalt  }
0x3e: {  	_ =	shalt  }
0x3f: {  	_ =	shalt  }
0x40: {  	_ =	shalt  }
0x41: {  	_ =	shalt  }
0x42: {  	_ =	shalt  }
0x43: {  	_ =	shalt  }
0x44: {  	_ =	shalt  }
0x45: {  	_ =	shalt  }
0x46: {  	_ =	shalt  }
0x47: {  	_ =	shalt  }
0x48: {  	_ =	shalt  }
0x49: {  	_ =	shalt  }
0x4a: {  	_ =	shalt  }
0x4b: {  	_ =	shalt  }
0x4c: {  	_ =	shalt  }
0x4d: {  	_ =	shalt  }
0x4e: {  	_ =	shalt  }
0x4f: {  	_ =	shalt  }
0x50: {  	_ =	shalt  }
0x51: {  	_ =	shalt  }
0x52: {  	_ =	shalt  }
0x53: {  	_ =	shalt  }
0x54: {  	_ =	shalt  }
0x55: {  	_ =	shalt  }
0x56: {  	_ =	shalt  }
0x57: {  	_ =	shalt  }
0x58: {  	_ =	shalt  }
0x59: {  	_ =	shalt  }
0x5a: {  	_ =	shalt  }
0x5b: {  	_ =	shalt  }
0x5c: {  	_ =	shalt  }
0x5d: {  	_ =	shalt  }
0x5e: {  	_ =	shalt  }
0x5f: {  	_ =	shalt  }
0x60: {  	_ =	shalt  }
0x61: {  	_ =	shalt  }
0x62: {  	_ =	shalt  }
0x63: {  	_ =	shalt  }
0x64: {  	_ =	shalt  }
0x65: {  	_ =	shalt  }
0x66: {  	_ =	shalt  }
0x67: {  	_ =	shalt  }
0x68: {  	_ =	shalt  }
0x69: {  	_ =	shalt  }
0x6a: {  	_ =	shalt  }
0x6b: {  	_ =	shalt  }
0x6c: {  	_ =	shalt  }
0x6d: {  	_ =	shalt  }
0x6e: {  	_ =	shalt  }
0x6f: {  	_ =	shalt  }
0x70: {  	_ =	shalt  }
0x71: {  	_ =	shalt  }
0x72: {  	_ =	shalt  }
0x73: {  	_ =	shalt  }
0x74: {  	_ =	shalt  }
0x75: {  	_ =	shalt  }
0x76: {  	_ =	shalt  }
0x77: {  	_ =	shalt  }
0x78: {  	_ =	shalt  }
0x79: {  	_ =	shalt  }
0x7a: {  	_ =	shalt  }
0x7b: {  	_ =	shalt  }
0x7c: {  	_ =	shalt  }
0x7d: {  	_ =	shalt  }
0x7e: {  	_ =	shalt  }
0x7f: {  	_ =	shalt  }
0x80: {  	_ =	shalt  }
0x81: {  	_ =	shalt  }
0x82: {  	_ =	shalt  }
0x83: {  	_ =	shalt  }
0x84: {  	_ =	shalt  }
0x85: {  	_ =	shalt  }
0x86: {  	_ =	shalt  }
0x87: {  	_ =	shalt  }
.Lfunc_end0:
.L_simem_size_0:
called_computation.1_lowered:
.L_overlay_start_0:
0x88: {  	s2 =	sld [smem:$0x3FD9]  }
0x89: {  	s3 =	sld [smem:$0x3FFE];
	_ =	sdelay $0x1  }
0x8a: {  	s1 =	srdreg.scid  }
0x8b: {  	s0 =	sand.u32 $0x1, s1  }
0x8c: {  	s17 =	sshll.u32 s0, $0xA;
	s2 =	sadd.s32 s3, s2  }
0x8d: {  	s2 =	sadd.s32 s2, s17  }
0x8e: {  	[smem:$0x3FC0] =	sst s2  }
0x8f: {  	_ = 	snop  }
0x90: {  	s2 =	sld [smem:$0x3FD0];
	(tm) =	ssettm $0x1  }
0x91: {  	s18 =	sld [smem:$0x3FFB];
	_ =	sdelay $0x3  }
0x92: {  	_ =	strace s18  }
0x93: {  	s3 =	sld [smem:$0x3FFC];
	_ =	sdelay $0x3  }
0x94: {  	_ =	strace s3  }
0x95: {  	s3 =	sld [smem:$0x3FFD];
	_ =	sdelay $0x3  }
0x96: {  	_ =	strace s3  }
0x97: {  	_ =	strace $0x8FFFFFFF  }
0x98: {  	s19 =	sld [smem:$0x3FDB];
	_ =	sdelay $0x1  }
0x99: {  	s4 =	simm.s32 $_scs_section_size  }
0x9a: {  	s5 =	simm.s32 $_size__tile_overlayer_lowered;
	s6 =	simm.s32 $_tile_overlayer_lowered  }
0x9b: {  	s22 =	simm.s32 $0x1BFF;
	s21 =	sshll.u32 s6, $0x1;
	s3 =	sadd.s32 s4, s19  }
0x9c: {  	s7 =	simm.s32 $0x0;
	s20 =	sshll.u32 s5, $0x1;
	s5 =	sadd.s32 s21, s3  }
0x9d: {  	[timem:s7], [sflag:s22] =	dma.local [hbm:s5], s20  }
0x9e: {  	_ =	swait.ge [sflag:s22], s20  }
0x9f: {  	s4 =	ssub.s32 $0x0, s20;
	[sflag:s22] =	ssyncset.done $0x0  }
0xa0: {  	[sflag:s22] =	ssyncadd.s32 s4;
	_ =	sdelay $0x1  }
0xa1: {  	s23 =	simm.s32 $0x1B8B  }
0xa2: {  	_ =	swait.ge [sflag:s23], $0x1  }
0xa3: {  	[sflag:s23] =	ssyncset.done $0x0  }
0xa4: {  	s25 =	simm.s32 $0x1B8E;
	s24 =	sld [smem:$0x3FFE];
	[sflag:s23] =	ssyncadd.s32 $0xFFFFFFFF  }
0xa5: {  	s26 =	simm.s32 $execute0_lowered;
	[smem:$0x3FD2] =	sst s25  }
0xa6: {  	s5 =	sshll.u32 s26, $0x1;
	_ =	strace $0x80000046;
	[dreg:$0x1] =	wrdreg $0xFFFFFFFF  }
0xa7: {  	s28 =	simm.s32 $_size_execute0_lowered;
	s3 =	sadd.s32 s3, s5;
	[dreg:$0x0] =	wrdreg $0x0  }
0xa8: {  	s5 =	sshll.u32 s28, $0x1;
	[dreg:$0x2] =	wrdreg s3  }
0xa9: {  	[dreg:$0x3] =	wrdreg s5  }
0xaa: {  	[dreg:$0x4] =	wrdreg $0xC0  }
0xab: {  	_ =	task [dreg:s7], $0x5FFFF  }
0xac: {  	[dreg:$0x1] =	wrdreg $0xFFFFFFFF  }
0xad: {  	[dreg:$0x0] =	wrdreg $0x60  }
0xae: {  	[dreg:$0x2] =	wrdreg s24  }
0xaf: {  	[dreg:$0x3] =	wrdreg s2  }
0xb0: {  	[dreg:$0x4] =	wrdreg $0xA  }
0xb1: {  	_ =	task.clear_ibuf [dreg:s7], $0x5FFFF;
	_ =	strace $0x90000046  }
0xb2: {  	s29 =	simm.s32 $0xA;
	_ =	strace $0x80000048  }
0xb3: {  	_ =	swait.ge [sflag:s29], $0x1  }
0xb4: {  	[sflag:s29] =	ssyncadd.s32 $0xFFFFFFFF  }
0xb5: {  	_ =	strace $0x90000048  }
0xb6: {  	_ =	sfence  }
0xb7: {  	s30 =	sld [smem:$0x0];
	_ =	sdelay $0x2  }
0xb8: {  	s31 =	sshll.u32 s1, $0xD;
	s1 =	sshrl.u32 s1, $0x2  }
0xb9: {  	s3 =	sand.u32 $0x4000, s31;
	s1 =	sadd.s32 s1, s30  }
0xba: {  	s0 =	sor.u32 s3, s0;
	s1 =	sshll.u32 s1, $0x11  }
0xbb: {  	s0 =	sor.u32 s1, s0  }
0xbc: {  	s0 =	sadd.s32 $0x8F2B, s0  }
0xbd: {  	[sflag:s0] =	ssyncadd.remote.s32 $0x1  }
0xbe: {  	_ =	sfence.sel $0xFFFF  }
0xbf: {  	[dreg:$0x0] =	wrdreg $0xFFFFFFFF;
	(pc) =	sbr.abs _section_cstart, $3  }
0xc0: {  	[dreg:$0x1] =	wrdreg $0xFFFFFFFF  }
0xc1: {  	_ =	task.clear_ibuf [dreg:s7], $0x2FFFF;
	_ =	strace $0x9FFFFFFF  }
0xc2: {  	(tm) =	ssettm $0x7FFFFFFF  }
0xc3: {  	_ =	shalt  }
tec
execute0_lowered:
.L_overlay_start_1:
0x0: {  	(tag) =	ssettag $0x1  }
0x1: {  	s0 =	srdreg.scid  }
0x2: {  	s12 =	rddreg [dreg:$0x0];
	s1 =	stileid.u32;
	s2 =	sand.u32 $0x1, s0  }
0x3: {  	s28 =	rddreg [dreg:$0x1];
	s18 =	sshll.u32 s1, $0xA;
	s3 =	sshll.u32 s2, $0x9  }
0x4: {  	s25 =	sadd.s32 $0x1A00, s12;
	s26 =	sadd.s32 $0x2200, s12;
	s30 =	sor.u32 s3, s18  }
0x5: {  	s1 =	smov.u32 s2;
	s2 =	simm.s32 $0x0;
	s0 =	sshrl.u32 s30, $0x3  }
0x6: {  	s29 =	sadd.s32 $0x189400, s12;
	[smem:$0x7FF] =	sst s2;
	s19 =	sadd.s32 s25, s0  }
0x7: {  	_ =	strace $0x80000047;
	s20 =	sadd.s32 s26, s0;
	[dreg:$0x3] =	wrdreg s19  }
0x8: {  	s13 =	sshll.u32 s30, $0x4;
	s0 =	sadd.s32 s28, s0;
	[dreg:$0x4] =	wrdreg s20  }
0x9: {  	s21 =	sadd.s32 s29, s13;
	[dreg:$0x5] =	wrdreg s0  }
0xa: {  	[dreg:$0x6] =	wrdreg s21  }
0xb: {  	s3 =	simm.s32 $0x2;
	s4 =	rddreg [dreg:$0x3]  }
0xc: {  	[tilespmem:s2], [sflag:$0x2] =	stream.linear.gather [hbm4b:s4+s2], $0x80, $0x38;
	[tilespmem:$0xC180] =	vst v63  }
0xd: {  	_ =	swait.ge [sflag:s3], $0x80  }
0xe: {  	[sflag:s3] =	ssyncset.done $0x0  }
0xf: {  	s4 =	simm.s32 $0x80;
	s22 =	rddreg [dreg:$0x4];
	[sflag:s3] =	ssyncadd.s32 $0xFFFFFF80  }
0x10: {  	[tilespmem:s4], [sflag:$0x2] =	stream.linear.gather [hbm4b:s22+s2], $0x80, $0x38;
	[tilespmem:$0xC180] =	vst v63  }
0x11: {  	_ =	swait.ge [sflag:s3], $0x80  }
0x12: {  	[sflag:s3] =	ssyncset.done $0x0  }
0x13: {  	s5 =	simm.s32 $0x100;
	s23 =	rddreg [dreg:$0x5];
	[sflag:s3] =	ssyncadd.s32 $0xFFFFFF80  }
0x14: {  	[tilespmem:s5], [sflag:$0x2] =	stream.linear.gather [hbm4b:s23+s2], $0x80, $0x38;
	[tilespmem:$0xC180] =	vst v63  }
0x15: {  	_ =	swait.ge [sflag:s3], $0x80  }
0x16: {  	[sflag:s3] =	ssyncset.done $0x0  }
0x17: {  	s7 =	simm.s32 $0x180;
	s6 =	sadd.s32 $0x2A00, s12;
	[sflag:s3] =	ssyncadd.s32 $0xFFFFFF80  }
0x18: {  	[tilespmem:s7], [sflag:$0x1] =	stream.indirect.gather [hbm4b:s6+s4], $0x80, s2, s4, $0xb8;
	[tilespmem:$0xC180] =	vst v63  }
0x19: {  	s8 =	simm.s32 $0x4180  }
0x1a: {  	[tilespmem:s8], [sflag:$0x1] =	stream.indirect.gather [hbm4b:s6+s4], $0x80, s4, s4, $0xb8;
	[tilespmem:$0xC180] =	vst v63  }
0x1b: {  	s9 =	simm.s32 $0x8180;
	s10 =	simm.s32 $0x1  }
0x1c: {  	[tilespmem:s9], [sflag:$0x1] =	stream.indirect.gather [hbm4b:s6+s4], $0x80, s5, s4, $0xb8;
	[tilespmem:$0xC180] =	vst v63  }
0x1d: {  	_ =	swait.ge [sflag:s10], $0x4000  }
0x1e: {  	[sflag:s10] =	ssyncset.done $0x0  }
0x1f: {  	[sflag:s10] =	ssyncadd.s32 $0xFFFFC000  }
0x20: {  	_ =	swait.ge [sflag:s10], $0x4000  }
0x21: {  	[sflag:s10] =	ssyncset.done $0x0  }
0x22: {  	[sflag:s10] =	ssyncadd.s32 $0xFFFFC000  }
0x23: {  	_ =	swait.ge [sflag:s10], $0x4000  }
0x24: {  	[sflag:s10] =	ssyncset.done $0x0  }
0x25: {  	s24 =	rddreg [dreg:$0x6];
	[sflag:s10] =	ssyncadd.s32 $0xFFFFC000  }
0x26: {  	[hbm4b:s24+s2] =	stream.linear.scatter [tilespmem:s7], [sflag:$0x2], $0x4000, $0x38;
	[tilespmem:$0xC180] =	vst v63  }
0x27: {  	_ =	swait.ge [sflag:s3], $0x4000  }
0x28: {  	s31 =	sadd.s32 $0x1C9400, s12;
	[sflag:s3] =	ssyncset.done $0x0  }
0x29: {  	s11 =	sadd.s32 s31, s13;
	[sflag:s3] =	ssyncadd.s32 $0xFFFFC000  }
0x2a: {  	[hbm4b:s11+s2] =	stream.linear.scatter [tilespmem:s8], [sflag:$0x2], $0x4000, $0x38;
	[tilespmem:$0xC180] =	vst v63  }
0x2b: {  	_ =	swait.ge [sflag:s3], $0x4000  }
0x2c: {  	s0 =	sadd.s32 $0x209400, s12;
	[sflag:s3] =	ssyncset.done $0x0  }
0x2d: {  	s12 =	sadd.s32 s0, s13;
	[sflag:s3] =	ssyncadd.s32 $0xFFFFC000  }
0x2e: {  	[hbm4b:s12+s2] =	stream.linear.scatter [tilespmem:s9], [sflag:$0x2], $0x4000, $0x38;
	[tilespmem:$0xC180] =	vst v63  }
0x2f: {  	s16 =	sor.u32 $0x80, s30;
	_ =	swait.ge [sflag:s3], $0x4000  }
0x30: {  	s15 =	sshrl.u32 s16, $0x3;
	[sflag:s3] =	ssyncset.done $0x0  }
0x31: {  	s13 =	sadd.s32 s25, s15;
	[sflag:s3] =	ssyncadd.s32 $0xFFFFC000  }
0x32: {  	[tilespmem:s2], [sflag:$0x2] =	stream.linear.gather [hbm4b:s13+s2], $0x80, $0x38;
	[tilespmem:$0xC180] =	vst v63  }
0x33: {  	_ =	swait.ge [sflag:s3], $0x80  }
0x34: {  	[sflag:s3] =	ssyncset.done $0x0  }
0x35: {  	s14 =	sadd.s32 s26, s15;
	[sflag:s3] =	ssyncadd.s32 $0xFFFFFF80  }
0x36: {  	[tilespmem:s4], [sflag:$0x2] =	stream.linear.gather [hbm4b:s14+s2], $0x80, $0x38;
	[tilespmem:$0xC180] =	vst v63  }
0x37: {  	_ =	swait.ge [sflag:s3], $0x80  }
0x38: {  	[sflag:s3] =	ssyncset.done $0x0  }
0x39: {  	s15 =	sadd.s32 s28, s15;
	[sflag:s3] =	ssyncadd.s32 $0xFFFFFF80  }
0x3a: {  	[tilespmem:s5], [sflag:$0x2] =	stream.linear.gather [hbm4b:s15+s2], $0x80, $0x38;
	[tilespmem:$0xC180] =	vst v63  }
0x3b: {  	_ =	swait.ge [sflag:s3], $0x80  }
0x3c: {  	[sflag:s3] =	ssyncset.done $0x0  }
0x3d: {  	[sflag:s3] =	ssyncadd.s32 $0xFFFFFF80  }
0x3e: {  	[tilespmem:s7], [sflag:$0x1] =	stream.indirect.gather [hbm4b:s6+s4], $0x80, s2, s4, $0xb8;
	[tilespmem:$0xC180] =	vst v63  }
0x3f: {  	_ = 	snop  }
0x40: {  	[tilespmem:s8], [sflag:$0x1] =	stream.indirect.gather [hbm4b:s6+s4], $0x80, s4, s4, $0xb8;
	[tilespmem:$0xC180] =	vst v63  }
0x41: {  	_ = 	snop  }
0x42: {  	[tilespmem:s9], [sflag:$0x1] =	stream.indirect.gather [hbm4b:s6+s4], $0x80, s5, s4, $0xb8;
	[tilespmem:$0xC180] =	vst v63  }
0x43: {  	_ =	swait.ge [sflag:s10], $0x4000  }
0x44: {  	[sflag:s10] =	ssyncset.done $0x0  }
0x45: {  	[sflag:s10] =	ssyncadd.s32 $0xFFFFC000  }
0x46: {  	_ =	swait.ge [sflag:s10], $0x4000  }
0x47: {  	[sflag:s10] =	ssyncset.done $0x0  }
0x48: {  	[sflag:s10] =	ssyncadd.s32 $0xFFFFC000  }
0x49: {  	_ =	swait.ge [sflag:s10], $0x4000  }
0x4a: {  	s18 =	sshll.u32 s16, $0x4;
	[sflag:s10] =	ssyncset.done $0x0  }
0x4b: {  	s16 =	sadd.s32 s29, s18;
	[sflag:s10] =	ssyncadd.s32 $0xFFFFC000  }
0x4c: {  	[hbm4b:s16+s2] =	stream.linear.scatter [tilespmem:s7], [sflag:$0x2], $0x4000, $0x38;
	[tilespmem:$0xC180] =	vst v63  }
0x4d: {  	_ =	swait.ge [sflag:s3], $0x4000  }
0x4e: {  	[sflag:s3] =	ssyncset.done $0x0  }
0x4f: {  	s17 =	sadd.s32 s31, s18;
	[sflag:s3] =	ssyncadd.s32 $0xFFFFC000  }
0x50: {  	[hbm4b:s17+s2] =	stream.linear.scatter [tilespmem:s8], [sflag:$0x2], $0x4000, $0x38;
	[tilespmem:$0xC180] =	vst v63  }
0x51: {  	_ =	swait.ge [sflag:s3], $0x4000  }
0x52: {  	[sflag:s3] =	ssyncset.done $0x0  }
0x53: {  	s18 =	sadd.s32 s0, s18;
	[dreg:$0x7] =	wrdreg s0;
	[sflag:s3] =	ssyncadd.s32 $0xFFFFC000  }
0x54: {  	[hbm4b:s18+s2] =	stream.linear.scatter [tilespmem:s9], [sflag:$0x2], $0x4000, $0x38;
	[tilespmem:$0xC180] =	vst v63  }
0x55: {  	s22 =	sor.u32 $0x100, s30;
	_ =	swait.ge [sflag:s3], $0x4000  }
0x56: {  	s21 =	sshrl.u32 s22, $0x3;
	[sflag:s3] =	ssyncset.done $0x0  }
0x57: {  	s19 =	sadd.s32 s25, s21;
	[sflag:s3] =	ssyncadd.s32 $0xFFFFC000  }
0x58: {  	[tilespmem:s2], [sflag:$0x2] =	stream.linear.gather [hbm4b:s19+s2], $0x80, $0x38;
	[tilespmem:$0xC180] =	vst v63  }
0x59: {  	_ =	swait.ge [sflag:s3], $0x80  }
0x5a: {  	[sflag:s3] =	ssyncset.done $0x0  }
0x5b: {  	s20 =	sadd.s32 s26, s21;
	[sflag:s3] =	ssyncadd.s32 $0xFFFFFF80  }
0x5c: {  	[tilespmem:s4], [sflag:$0x2] =	stream.linear.gather [hbm4b:s20+s2], $0x80, $0x38;
	[tilespmem:$0xC180] =	vst v63  }
0x5d: {  	_ =	swait.ge [sflag:s3], $0x80  }
0x5e: {  	[sflag:s3] =	ssyncset.done $0x0  }
0x5f: {  	s21 =	sadd.s32 s28, s21;
	[sflag:s3] =	ssyncadd.s32 $0xFFFFFF80  }
0x60: {  	[tilespmem:s5], [sflag:$0x2] =	stream.linear.gather [hbm4b:s21+s2], $0x80, $0x38;
	[tilespmem:$0xC180] =	vst v63  }
0x61: {  	_ =	swait.ge [sflag:s3], $0x80  }
0x62: {  	[sflag:s3] =	ssyncset.done $0x0  }
0x63: {  	[sflag:s3] =	ssyncadd.s32 $0xFFFFFF80  }
0x64: {  	[tilespmem:s7], [sflag:$0x1] =	stream.indirect.gather [hbm4b:s6+s4], $0x80, s2, s4, $0xb8;
	[tilespmem:$0xC180] =	vst v63  }
0x65: {  	_ = 	snop  }
0x66: {  	[tilespmem:s8], [sflag:$0x1] =	stream.indirect.gather [hbm4b:s6+s4], $0x80, s4, s4, $0xb8;
	[tilespmem:$0xC180] =	vst v63  }
0x67: {  	_ = 	snop  }
0x68: {  	[tilespmem:s9], [sflag:$0x1] =	stream.indirect.gather [hbm4b:s6+s4], $0x80, s5, s4, $0xb8;
	[tilespmem:$0xC180] =	vst v63  }
0x69: {  	_ =	swait.ge [sflag:s10], $0x4000  }
0x6a: {  	[sflag:s10] =	ssyncset.done $0x0  }
0x6b: {  	[sflag:s10] =	ssyncadd.s32 $0xFFFFC000  }
0x6c: {  	_ =	swait.ge [sflag:s10], $0x4000  }
0x6d: {  	[sflag:s10] =	ssyncset.done $0x0  }
0x6e: {  	[sflag:s10] =	ssyncadd.s32 $0xFFFFC000  }
0x6f: {  	_ =	swait.ge [sflag:s10], $0x4000  }
0x70: {  	s24 =	sshll.u32 s22, $0x4;
	[sflag:s10] =	ssyncset.done $0x0  }
0x71: {  	s22 =	sadd.s32 s29, s24;
	[sflag:s10] =	ssyncadd.s32 $0xFFFFC000  }
0x72: {  	[hbm4b:s22+s2] =	stream.linear.scatter [tilespmem:s7], [sflag:$0x2], $0x4000, $0x38;
	[tilespmem:$0xC180] =	vst v63  }
0x73: {  	_ =	swait.ge [sflag:s3], $0x4000  }
0x74: {  	[sflag:s3] =	ssyncset.done $0x0  }
0x75: {  	s23 =	sadd.s32 s31, s24;
	[sflag:s3] =	ssyncadd.s32 $0xFFFFC000  }
0x76: {  	[hbm4b:s23+s2] =	stream.linear.scatter [tilespmem:s8], [sflag:$0x2], $0x4000, $0x38;
	[tilespmem:$0xC180] =	vst v63  }
0x77: {  	_ =	swait.ge [sflag:s3], $0x4000  }
0x78: {  	[sflag:s3] =	ssyncset.done $0x0  }
0x79: {  	s24 =	sadd.s32 s0, s24;
	[sflag:s3] =	ssyncadd.s32 $0xFFFFC000  }
0x7a: {  	[hbm4b:s24+s2] =	stream.linear.scatter [tilespmem:s9], [sflag:$0x2], $0x4000, $0x38;
	[tilespmem:$0xC180] =	vst v63  }
0x7b: {  	s30 =	sor.u32 $0x180, s30;
	_ =	swait.ge [sflag:s3], $0x4000  }
0x7c: {  	s0 =	sshrl.u32 s30, $0x3;
	[sflag:s3] =	ssyncset.done $0x0  }
0x7d: {  	s25 =	sadd.s32 s25, s0;
	[sflag:s3] =	ssyncadd.s32 $0xFFFFC000  }
0x7e: {  	[tilespmem:s2], [sflag:$0x2] =	stream.linear.gather [hbm4b:s25+s2], $0x80, $0x38;
	[tilespmem:$0xC180] =	vst v63  }
0x7f: {  	_ =	swait.ge [sflag:s3], $0x80  }
0x80: {  	[sflag:s3] =	ssyncset.done $0x0  }
0x81: {  	s26 =	sadd.s32 s26, s0;
	[sflag:s3] =	ssyncadd.s32 $0xFFFFFF80  }
0x82: {  	[tilespmem:s4], [sflag:$0x2] =	stream.linear.gather [hbm4b:s26+s2], $0x80, $0x38;
	[tilespmem:$0xC180] =	vst v63  }
0x83: {  	_ =	swait.ge [sflag:s3], $0x80  }
0x84: {  	[sflag:s3] =	ssyncset.done $0x0  }
0x85: {  	s28 =	sadd.s32 s28, s0;
	[sflag:s3] =	ssyncadd.s32 $0xFFFFFF80  }
0x86: {  	[tilespmem:s5], [sflag:$0x2] =	stream.linear.gather [hbm4b:s28+s2], $0x80, $0x38;
	[tilespmem:$0xC180] =	vst v63  }
0x87: {  	_ =	swait.ge [sflag:s3], $0x80  }
0x88: {  	[sflag:s3] =	ssyncset.done $0x0  }
0x89: {  	[sflag:s3] =	ssyncadd.s32 $0xFFFFFF80  }
0x8a: {  	[tilespmem:s7], [sflag:$0x1] =	stream.indirect.gather [hbm4b:s6+s4], $0x80, s2, s4, $0xb8;
	[tilespmem:$0xC180] =	vst v63  }
0x8b: {  	_ = 	snop  }
0x8c: {  	[tilespmem:s8], [sflag:$0x1] =	stream.indirect.gather [hbm4b:s6+s4], $0x80, s4, s4, $0xb8;
	[tilespmem:$0xC180] =	vst v63  }
0x8d: {  	_ = 	snop  }
0x8e: {  	[tilespmem:s9], [sflag:$0x1] =	stream.indirect.gather [hbm4b:s6+s4], $0x80, s5, s4, $0xb8;
	[tilespmem:$0xC180] =	vst v63  }
0x8f: {  	_ =	swait.ge [sflag:s10], $0x4000  }
0x90: {  	[sflag:s10] =	ssyncset.done $0x0  }
0x91: {  	[sflag:s10] =	ssyncadd.s32 $0xFFFFC000  }
0x92: {  	_ =	swait.ge [sflag:s10], $0x4000  }
0x93: {  	[sflag:s10] =	ssyncset.done $0x0  }
0x94: {  	[sflag:s10] =	ssyncadd.s32 $0xFFFFC000  }
0x95: {  	s0 =	sshll.u32 s30, $0x4;
	_ =	swait.ge [sflag:s10], $0x4000  }
0x96: {  	s1 =	ssub.s32 $0x2, s1;
	s29 =	sadd.s32 s29, s0;
	[sflag:s10] =	ssyncset.done $0x0  }
0x97: {  	s30 =	sadd.s32 s31, s0;
	s31 =	sshrl.u32 s1, $0x1;
	[sflag:s10] =	ssyncadd.s32 $0xFFFFC000  }
0x98: {  	[hbm4b:s29+s2] =	stream.linear.scatter [tilespmem:s7], [sflag:$0x2], $0x4000, $0x38;
	[tilespmem:$0xC180] =	vst v63  }
0x99: {  	s1 =	ssub.s32 s1, s31;
	_ =	swait.ge [sflag:s3], $0x4000  }
0x9a: {  	s1 =	smax.u32 s1, $0x1;
	[sflag:s3] =	ssyncset.done $0x0  }
0x9b: {  	p0 =	sne.s32 s1, $0x1;
	[sflag:s3] =	ssyncadd.s32 $0xFFFFC000  }
0x9c: {  	[hbm4b:s30+s2] =	stream.linear.scatter [tilespmem:s8], [sflag:$0x2], $0x4000, $0x38;
	[tilespmem:$0xC180] =	vst v63  }
.Ltmp0:
0x9d: {  	_ =	swait.ge [sflag:s3], $0x4000;
	(pc) =	sbr.rel @!p0 .LBB2_2-.Ltmp0, $4  }
0x9e: {  	[sflag:s3] =	ssyncset.done $0x0;
	s31 =	rddreg [dreg:$0x7]  }
0x9f: {  	s31 =	sadd.s32 s31, s0;
	[sflag:s3] =	ssyncadd.s32 $0xFFFFC000  }
0xa0: {  	[hbm4b:s31+s2] =	stream.linear.scatter [tilespmem:s9], [sflag:$0x2], $0x4000, $0x38;
	[tilespmem:$0xC180] =	vst v63  }
0xa1: {  	s1 =	sadd.s32 $0xFFFFFFFF, s1;
	_ =	swait.ge [sflag:s3], $0x4000  }
.LBB2_1:
0xa2: {  	[sflag:s3] =	ssyncset.done $0x0  }
0xa3: {  	s0 =	rddreg [dreg:$0x3];
	[sflag:s3] =	ssyncadd.s32 $0xFFFFC000  }
0xa4: {  	[tilespmem:s2], [sflag:$0x2] =	stream.linear.gather [hbm4b:s0+s2], $0x80, $0x38;
	[tilespmem:$0xC180] =	vst v63  }
0xa5: {  	_ =	swait.ge [sflag:s3], $0x80  }
0xa6: {  	[sflag:s3] =	ssyncset.done $0x0  }
0xa7: {  	s0 =	rddreg [dreg:$0x4];
	[sflag:s3] =	ssyncadd.s32 $0xFFFFFF80  }
0xa8: {  	[tilespmem:s4], [sflag:$0x2] =	stream.linear.gather [hbm4b:s0+s2], $0x80, $0x38;
	[tilespmem:$0xC180] =	vst v63  }
0xa9: {  	_ =	swait.ge [sflag:s3], $0x80  }
0xaa: {  	[sflag:s3] =	ssyncset.done $0x0  }
0xab: {  	s0 =	rddreg [dreg:$0x5];
	[sflag:s3] =	ssyncadd.s32 $0xFFFFFF80  }
0xac: {  	[tilespmem:s5], [sflag:$0x2] =	stream.linear.gather [hbm4b:s0+s2], $0x80, $0x38;
	[tilespmem:$0xC180] =	vst v63  }
0xad: {  	_ =	swait.ge [sflag:s3], $0x80  }
0xae: {  	[sflag:s3] =	ssyncset.done $0x0  }
0xaf: {  	[sflag:s3] =	ssyncadd.s32 $0xFFFFFF80  }
0xb0: {  	[tilespmem:s7], [sflag:$0x1] =	stream.indirect.gather [hbm4b:s6+s4], $0x80, s2, s4, $0xb8;
	[tilespmem:$0xC180] =	vst v63  }
0xb1: {  	_ = 	snop  }
0xb2: {  	[tilespmem:s8], [sflag:$0x1] =	stream.indirect.gather [hbm4b:s6+s4], $0x80, s4, s4, $0xb8;
	[tilespmem:$0xC180] =	vst v63  }
0xb3: {  	_ = 	snop  }
0xb4: {  	[tilespmem:s9], [sflag:$0x1] =	stream.indirect.gather [hbm4b:s6+s4], $0x80, s5, s4, $0xb8;
	[tilespmem:$0xC180] =	vst v63  }
0xb5: {  	_ =	swait.ge [sflag:s10], $0x4000  }
0xb6: {  	[sflag:s10] =	ssyncset.done $0x0  }
0xb7: {  	[sflag:s10] =	ssyncadd.s32 $0xFFFFC000  }
0xb8: {  	_ =	swait.ge [sflag:s10], $0x4000  }
0xb9: {  	[sflag:s10] =	ssyncset.done $0x0  }
0xba: {  	[sflag:s10] =	ssyncadd.s32 $0xFFFFC000  }
0xbb: {  	_ =	swait.ge [sflag:s10], $0x4000  }
0xbc: {  	[sflag:s10] =	ssyncset.done $0x0  }
0xbd: {  	s0 =	rddreg [dreg:$0x6];
	[sflag:s10] =	ssyncadd.s32 $0xFFFFC000  }
0xbe: {  	[hbm4b:s0+s2] =	stream.linear.scatter [tilespmem:s7], [sflag:$0x2], $0x4000, $0x38;
	[tilespmem:$0xC180] =	vst v63  }
0xbf: {  	_ =	swait.ge [sflag:s3], $0x4000  }
0xc0: {  	[sflag:s3] =	ssyncset.done $0x0  }
0xc1: {  	[sflag:s3] =	ssyncadd.s32 $0xFFFFC000  }
0xc2: {  	[hbm4b:s11+s2] =	stream.linear.scatter [tilespmem:s8], [sflag:$0x2], $0x4000, $0x38;
	[tilespmem:$0xC180] =	vst v63  }
0xc3: {  	_ =	swait.ge [sflag:s3], $0x4000  }
0xc4: {  	[sflag:s3] =	ssyncset.done $0x0  }
0xc5: {  	[sflag:s3] =	ssyncadd.s32 $0xFFFFC000  }
0xc6: {  	[hbm4b:s12+s2] =	stream.linear.scatter [tilespmem:s9], [sflag:$0x2], $0x4000, $0x38;
	[tilespmem:$0xC180] =	vst v63  }
0xc7: {  	_ =	swait.ge [sflag:s3], $0x4000  }
0xc8: {  	[sflag:s3] =	ssyncset.done $0x0  }
0xc9: {  	[sflag:s3] =	ssyncadd.s32 $0xFFFFC000  }
0xca: {  	[tilespmem:s2], [sflag:$0x2] =	stream.linear.gather [hbm4b:s13+s2], $0x80, $0x38;
	[tilespmem:$0xC180] =	vst v63  }
0xcb: {  	_ =	swait.ge [sflag:s3], $0x80  }
0xcc: {  	[sflag:s3] =	ssyncset.done $0x0  }
0xcd: {  	[sflag:s3] =	ssyncadd.s32 $0xFFFFFF80  }
0xce: {  	[tilespmem:s4], [sflag:$0x2] =	stream.linear.gather [hbm4b:s14+s2], $0x80, $0x38;
	[tilespmem:$0xC180] =	vst v63  }
0xcf: {  	_ =	swait.ge [sflag:s3], $0x80  }
0xd0: {  	[sflag:s3] =	ssyncset.done $0x0  }
0xd1: {  	[sflag:s3] =	ssyncadd.s32 $0xFFFFFF80  }
0xd2: {  	[tilespmem:s5], [sflag:$0x2] =	stream.linear.gather [hbm4b:s15+s2], $0x80, $0x38;
	[tilespmem:$0xC180] =	vst v63  }
0xd3: {  	_ =	swait.ge [sflag:s3], $0x80  }
0xd4: {  	[sflag:s3] =	ssyncset.done $0x0  }
0xd5: {  	[sflag:s3] =	ssyncadd.s32 $0xFFFFFF80  }
0xd6: {  	[tilespmem:s7], [sflag:$0x1] =	stream.indirect.gather [hbm4b:s6+s4], $0x80, s2, s4, $0xb8;
	[tilespmem:$0xC180] =	vst v63  }
0xd7: {  	_ = 	snop  }
0xd8: {  	[tilespmem:s8], [sflag:$0x1] =	stream.indirect.gather [hbm4b:s6+s4], $0x80, s4, s4, $0xb8;
	[tilespmem:$0xC180] =	vst v63  }
0xd9: {  	_ = 	snop  }
0xda: {  	[tilespmem:s9], [sflag:$0x1] =	stream.indirect.gather [hbm4b:s6+s4], $0x80, s5, s4, $0xb8;
	[tilespmem:$0xC180] =	vst v63  }
0xdb: {  	_ =	swait.ge [sflag:s10], $0x4000  }
0xdc: {  	[sflag:s10] =	ssyncset.done $0x0  }
0xdd: {  	[sflag:s10] =	ssyncadd.s32 $0xFFFFC000  }
0xde: {  	_ =	swait.ge [sflag:s10], $0x4000  }
0xdf: {  	[sflag:s10] =	ssyncset.done $0x0  }
0xe0: {  	[sflag:s10] =	ssyncadd.s32 $0xFFFFC000  }
0xe1: {  	_ =	swait.ge [sflag:s10], $0x4000  }
0xe2: {  	[sflag:s10] =	ssyncset.done $0x0  }
0xe3: {  	[sflag:s10] =	ssyncadd.s32 $0xFFFFC000  }
0xe4: {  	[hbm4b:s16+s2] =	stream.linear.scatter [tilespmem:s7], [sflag:$0x2], $0x4000, $0x38;
	[tilespmem:$0xC180] =	vst v63  }
0xe5: {  	_ =	swait.ge [sflag:s3], $0x4000  }
0xe6: {  	[sflag:s3] =	ssyncset.done $0x0  }
0xe7: {  	[sflag:s3] =	ssyncadd.s32 $0xFFFFC000  }
0xe8: {  	[hbm4b:s17+s2] =	stream.linear.scatter [tilespmem:s8], [sflag:$0x2], $0x4000, $0x38;
	[tilespmem:$0xC180] =	vst v63  }
0xe9: {  	_ =	swait.ge [sflag:s3], $0x4000  }
0xea: {  	[sflag:s3] =	ssyncset.done $0x0  }
0xeb: {  	[sflag:s3] =	ssyncadd.s32 $0xFFFFC000  }
0xec: {  	[hbm4b:s18+s2] =	stream.linear.scatter [tilespmem:s9], [sflag:$0x2], $0x4000, $0x38;
	[tilespmem:$0xC180] =	vst v63  }
0xed: {  	_ =	swait.ge [sflag:s3], $0x4000  }
0xee: {  	[sflag:s3] =	ssyncset.done $0x0  }
0xef: {  	[sflag:s3] =	ssyncadd.s32 $0xFFFFC000  }
0xf0: {  	[tilespmem:s2], [sflag:$0x2] =	stream.linear.gather [hbm4b:s19+s2], $0x80, $0x38;
	[tilespmem:$0xC180] =	vst v63  }
0xf1: {  	_ =	swait.ge [sflag:s3], $0x80  }
0xf2: {  	[sflag:s3] =	ssyncset.done $0x0  }
0xf3: {  	[sflag:s3] =	ssyncadd.s32 $0xFFFFFF80  }
0xf4: {  	[tilespmem:s4], [sflag:$0x2] =	stream.linear.gather [hbm4b:s20+s2], $0x80, $0x38;
	[tilespmem:$0xC180] =	vst v63  }
0xf5: {  	_ =	swait.ge [sflag:s3], $0x80  }
0xf6: {  	[sflag:s3] =	ssyncset.done $0x0  }
0xf7: {  	[sflag:s3] =	ssyncadd.s32 $0xFFFFFF80  }
0xf8: {  	[tilespmem:s5], [sflag:$0x2] =	stream.linear.gather [hbm4b:s21+s2], $0x80, $0x38;
	[tilespmem:$0xC180] =	vst v63  }
0xf9: {  	_ =	swait.ge [sflag:s3], $0x80  }
0xfa: {  	[sflag:s3] =	ssyncset.done $0x0  }
0xfb: {  	[sflag:s3] =	ssyncadd.s32 $0xFFFFFF80  }
0xfc: {  	[tilespmem:s7], [sflag:$0x1] =	stream.indirect.gather [hbm4b:s6+s4], $0x80, s2, s4, $0xb8;
	[tilespmem:$0xC180] =	vst v63  }
0xfd: {  	_ = 	snop  }
0xfe: {  	[tilespmem:s8], [sflag:$0x1] =	stream.indirect.gather [hbm4b:s6+s4], $0x80, s4, s4, $0xb8;
	[tilespmem:$0xC180] =	vst v63  }
0xff: {  	_ = 	snop  }
0x100: {  	[tilespmem:s9], [sflag:$0x1] =	stream.indirect.gather [hbm4b:s6+s4], $0x80, s5, s4, $0xb8;
	[tilespmem:$0xC180] =	vst v63  }
0x101: {  	_ =	swait.ge [sflag:s10], $0x4000  }
0x102: {  	[sflag:s10] =	ssyncset.done $0x0  }
0x103: {  	[sflag:s10] =	ssyncadd.s32 $0xFFFFC000  }
0x104: {  	_ =	swait.ge [sflag:s10], $0x4000  }
0x105: {  	[sflag:s10] =	ssyncset.done $0x0  }
0x106: {  	[sflag:s10] =	ssyncadd.s32 $0xFFFFC000  }
0x107: {  	_ =	swait.ge [sflag:s10], $0x4000  }
0x108: {  	[sflag:s10] =	ssyncset.done $0x0  }
0x109: {  	[sflag:s10] =	ssyncadd.s32 $0xFFFFC000  }
0x10a: {  	[hbm4b:s22+s2] =	stream.linear.scatter [tilespmem:s7], [sflag:$0x2], $0x4000, $0x38;
	[tilespmem:$0xC180] =	vst v63  }
0x10b: {  	_ =	swait.ge [sflag:s3], $0x4000  }
0x10c: {  	[sflag:s3] =	ssyncset.done $0x0  }
0x10d: {  	[sflag:s3] =	ssyncadd.s32 $0xFFFFC000  }
0x10e: {  	[hbm4b:s23+s2] =	stream.linear.scatter [tilespmem:s8], [sflag:$0x2], $0x4000, $0x38;
	[tilespmem:$0xC180] =	vst v63  }
0x10f: {  	_ =	swait.ge [sflag:s3], $0x4000  }
0x110: {  	[sflag:s3] =	ssyncset.done $0x0  }
0x111: {  	[sflag:s3] =	ssyncadd.s32 $0xFFFFC000  }
0x112: {  	[hbm4b:s24+s2] =	stream.linear.scatter [tilespmem:s9], [sflag:$0x2], $0x4000, $0x38;
	[tilespmem:$0xC180] =	vst v63  }
0x113: {  	_ =	swait.ge [sflag:s3], $0x4000  }
0x114: {  	[sflag:s3] =	ssyncset.done $0x0  }
0x115: {  	[sflag:s3] =	ssyncadd.s32 $0xFFFFC000  }
0x116: {  	[tilespmem:s2], [sflag:$0x2] =	stream.linear.gather [hbm4b:s25+s2], $0x80, $0x38;
	[tilespmem:$0xC180] =	vst v63  }
0x117: {  	_ =	swait.ge [sflag:s3], $0x80  }
0x118: {  	[sflag:s3] =	ssyncset.done $0x0  }
0x119: {  	[sflag:s3] =	ssyncadd.s32 $0xFFFFFF80  }
0x11a: {  	[tilespmem:s4], [sflag:$0x2] =	stream.linear.gather [hbm4b:s26+s2], $0x80, $0x38;
	[tilespmem:$0xC180] =	vst v63  }
0x11b: {  	_ =	swait.ge [sflag:s3], $0x80  }
0x11c: {  	[sflag:s3] =	ssyncset.done $0x0  }
0x11d: {  	[sflag:s3] =	ssyncadd.s32 $0xFFFFFF80  }
0x11e: {  	[tilespmem:s5], [sflag:$0x2] =	stream.linear.gather [hbm4b:s28+s2], $0x80, $0x38;
	[tilespmem:$0xC180] =	vst v63  }
0x11f: {  	_ =	swait.ge [sflag:s3], $0x80  }
0x120: {  	[sflag:s3] =	ssyncset.done $0x0  }
0x121: {  	[sflag:s3] =	ssyncadd.s32 $0xFFFFFF80  }
0x122: {  	[tilespmem:s7], [sflag:$0x1] =	stream.indirect.gather [hbm4b:s6+s4], $0x80, s2, s4, $0xb8;
	[tilespmem:$0xC180] =	vst v63  }
0x123: {  	_ = 	snop  }
0x124: {  	[tilespmem:s8], [sflag:$0x1] =	stream.indirect.gather [hbm4b:s6+s4], $0x80, s4, s4, $0xb8;
	[tilespmem:$0xC180] =	vst v63  }
0x125: {  	_ = 	snop  }
0x126: {  	[tilespmem:s9], [sflag:$0x1] =	stream.indirect.gather [hbm4b:s6+s4], $0x80, s5, s4, $0xb8;
	[tilespmem:$0xC180] =	vst v63  }
0x127: {  	_ =	swait.ge [sflag:s10], $0x4000  }
0x128: {  	[sflag:s10] =	ssyncset.done $0x0  }
0x129: {  	[sflag:s10] =	ssyncadd.s32 $0xFFFFC000  }
0x12a: {  	_ =	swait.ge [sflag:s10], $0x4000  }
0x12b: {  	[sflag:s10] =	ssyncset.done $0x0  }
0x12c: {  	[sflag:s10] =	ssyncadd.s32 $0xFFFFC000  }
0x12d: {  	_ =	swait.ge [sflag:s10], $0x4000  }
0x12e: {  	[sflag:s10] =	ssyncset.done $0x0  }
0x12f: {  	[sflag:s10] =	ssyncadd.s32 $0xFFFFC000  }
0x130: {  	[hbm4b:s29+s2] =	stream.linear.scatter [tilespmem:s7], [sflag:$0x2], $0x4000, $0x38;
	[tilespmem:$0xC180] =	vst v63  }
0x131: {  	_ =	swait.ge [sflag:s3], $0x4000  }
0x132: {  	[sflag:s3] =	ssyncset.done $0x0  }
0x133: {  	p0 =	sne.s32 s1, $0x1;
	[sflag:s3] =	ssyncadd.s32 $0xFFFFC000  }
0x134: {  	[hbm4b:s30+s2] =	stream.linear.scatter [tilespmem:s8], [sflag:$0x2], $0x4000, $0x38;
	[tilespmem:$0xC180] =	vst v63  }
.Ltmp1:
0x135: {  	_ =	swait.ge [sflag:s3], $0x4000;
	(pc) =	sbr.rel @p0 .LBB2_1-.Ltmp1, $4  }
0x136: {  	[sflag:s3] =	ssyncset.done $0x0  }
0x137: {  	[sflag:s3] =	ssyncadd.s32 $0xFFFFC000  }
0x138: {  	[hbm4b:s31+s2] =	stream.linear.scatter [tilespmem:s9], [sflag:$0x2], $0x4000, $0x38;
	[tilespmem:$0xC180] =	vst v63  }
0x139: {  	s1 =	sadd.s32 $0xFFFFFFFF, s1;
	_ =	swait.ge [sflag:s3], $0x4000  }
.LBB2_2:
0x13a: {  	[sflag:s3] =	ssyncset.done $0x0  }
0x13b: {  	[sflag:s3] =	ssyncadd.s32 $0xFFFFC000  }
0x13c: {  	_ =	sfence.sel $0x180000  }
0x13d: {  	[bflag:$0x0] =	sbarrier.arrive $0xFFFF  }
0x13e: {  	_ =	strace $0x90000047  }
0x13f: {  	s0 =	stileid.u32;
	[bflag:$0x2] =	sbarrier.arrive $0xFFFF  }
0x140: {  	p0 =	sne.s32 s0, $0x0;
	s0 =	rddreg [dreg:$0x2]  }
0x141: {  	s0 =	sadd.s32 @!p0 $0x100000, s0  }
0x142: {  	[sflag:s0] =	ssyncadd.tile.s32 @!p0 $0x1;
	_ =	shalt  }
.Lfunc_end2:
_tile_overlayer_lowered:
.L_overlay_start_2:
0x143: {  	(tag) =	ssettag $0x2  }
0x144: {  	s0 =	rddreg [dreg:$0x0];
	s2 =	stileid.u32  }
0x145: {  	s1 =	rddreg [dreg:$0x1];
	p0 =	sne.s32 s2, $0x0  }
0x146: {  	s3 =	rddreg [dreg:$0x2];
	[bflag:$0x3] =	sbarrier.arrive $0xFFFF;
	s2 =	simm.s32 @!p0 $0x1C02  }
0x147: {  	[timem:s3], [sflag:s2] =	dma.local @!p0 [hbm:s0], s1  }
0x148: {  	s0 =	simm.s32 @!p0 $0x2  }
0x149: {  	_ =	swait.ge @!p0 [sflag:s0], s1  }
0x14a: {  	s1 =	ssub.s32 @!p0 $0x0, s1;
	[sflag:s0] =	ssyncset.done @!p0 $0x0  }
0x14b: {  	[sflag:s0] =	ssyncadd.s32 @!p0 s1  }
0x14c: {  	[bflag:$0x3] =	sbarrier.arrive $0xFFFF  }
0x14d: {  	_ =	shalt  }

</sc_bundles>
